<compile_context>
chip_gen: v7x
topology: tpu7x:2x2x1
jax: 0.10.2.dev20260603
libtpu: 0.0.44.dev20260713+nightly
codegen_flags: <defaults>
</compile_context>

<pallas_src>
import functools

import jax
import jax.numpy as jnp
from jax import lax
from jax.experimental import pallas as pl
from jax.experimental.pallas import tpu as pltpu
from jax.experimental.pallas import tpu_sc as plsc

N = 100000
E = 1600000
OBS = 8
SD = 16
ED = 16
DP = 16

NC = 2
NS = 16
NW = NC * NS
CH = 128
GRP = 1024
GROUPS = 50
SPLIT = 1
PER_TILE = GROUPS * GRP
CHUNK_E = NW * PER_TILE
EP = SPLIT * CHUNK_E
NP = 102400
NT = 102400
ZR = NT // NS

_sc_params = pltpu.CompilerParams(use_tc_tiling_on_sc=False)


@functools.lru_cache(maxsize=1)
def _sc_mesh():
    return plsc.VectorSubcoreMesh(core_axis_name="c", subcore_axis_name="s",
                                  num_cores=NC, num_subcores=NS)


_RB = 2048
_RBP = _RB // 8


def _kron_mlp(params):
    w0, b0, w1, b1, w2, b2 = params
    i8 = jnp.eye(8, dtype=jnp.float32)
    return (jnp.kron(i8, w0), jnp.tile(b0, 8)[None, :],
            jnp.kron(i8, w1), jnp.tile(b1, 8)[None, :],
            jnp.kron(i8, w2), jnp.tile(b2, 8)[None, :])


def _bd_mlp(x, kw):
    bd0, b0t, bd1, b1t, bd2, b2t = kw
    h = jax.nn.relu(jnp.dot(x, bd0[...], preferred_element_type=jnp.float32)
                    + b0t[...])
    h = jax.nn.relu(jnp.dot(h, bd1[...], preferred_element_type=jnp.float32)
                    + b1t[...])
    return jnp.dot(h, bd2[...], preferred_element_type=jnp.float32) + b2t[...]


def _pack_bf16(hi_f32, lo_f32):
    hi = lax.bitcast_convert_type(hi_f32.astype(jnp.bfloat16), jnp.uint16)
    lo = lax.bitcast_convert_type(lo_f32.astype(jnp.bfloat16), jnp.uint16)
    word = (hi.astype(jnp.uint32) << 16) | lo.astype(jnp.uint32)
    return lax.bitcast_convert_type(word, jnp.int32)


def _unpack_hi(word_i32):
    w = lax.bitcast_convert_type(word_i32, jnp.uint32)
    return lax.bitcast_convert_type(w & jnp.uint32(0xFFFF0000), jnp.float32)


def _unpack_lo(word_i32):
    w = lax.bitcast_convert_type(word_i32, jnp.uint32)
    return lax.bitcast_convert_type(w << 16, jnp.float32)


def _percell_body(cells_ref,
                  c0, c1, c2, c3, c4, c5, n0, n1, n2, n3, n4, n5,
                  s_ref, d_ref):
    x = cells_ref[...]
    s_ref[...] = _pack_bf16(x, _bd_mlp(x, (c0, c1, c2, c3, c4, c5)))
    d_ref[...] = _pack_bf16(x, _bd_mlp(x, (n0, n1, n2, n3, n4, n5)))


def _full(shape):
    return pl.BlockSpec(shape, lambda i: (0,) * len(shape))


def _percell(cells_pack, p_edc, p_edn):
    wargs = []
    for p in (p_edc, p_edn):
        wargs += list(_kron_mlp(p))
    wspecs = [_full(a.shape) for a in wargs]
    return pl.pallas_call(
        _percell_body,
        grid=(NP // _RB,),
        in_specs=[pl.BlockSpec((_RBP, 128), lambda i: (i, 0))] + wspecs,
        out_specs=[pl.BlockSpec((_RBP, 128), lambda i: (i, 0))] * 2,
        out_shape=[jax.ShapeDtypeStruct((NP // 8, 128), jnp.int32)] * 2,
    )(cells_pack, *wargs)


@functools.lru_cache(maxsize=1)
def _make_gather_k():
    return functools.partial(
        pl.kernel,
        out_type=tuple(jax.ShapeDtypeStruct((CHUNK_E, SD), jnp.int32)
                       for _ in range(2)),
        mesh=_sc_mesh(),
        scratch_types=[
            pltpu.VMEM((GRP // CH, CH), jnp.int32),
            pltpu.VMEM((GRP // CH, CH), jnp.int32),
            pltpu.VMEM((GRP, SD), jnp.int32),
            pltpu.VMEM((GRP, SD), jnp.int32),
            pltpu.SemaphoreType.DMA,
        ],
        compiler_params=_sc_params,
    )(_gather_body)


def _gather_body(sx_t, dy_t, srcg, dstg, gsx_out, gdy_out,
                 idx_s, idx_d, buf_s, buf_d, sem):
    wid = lax.axis_index("c") * NS + lax.axis_index("s")
    rows_per_grp = GRP // CH

    def body(g, carry):
        r0 = wid * (PER_TILE // CH) + g * rows_per_grp
        pltpu.sync_copy(srcg.at[pl.ds(r0, rows_per_grp)], idx_s)
        pltpu.sync_copy(dstg.at[pl.ds(r0, rows_per_grp)], idx_d)
        descs = []
        for j in range(rows_per_grp):
            sl = pl.ds(j * CH, CH)
            descs.append(pltpu.async_copy(
                sx_t.at[idx_s.at[j]], buf_s.at[sl], sem))
            descs.append(pltpu.async_copy(
                dy_t.at[idx_d.at[j]], buf_d.at[sl], sem))
        for dsc in descs:
            dsc.wait()
        e0 = wid * PER_TILE + g * GRP
        pltpu.sync_copy(buf_s, gsx_out.at[pl.ds(e0, GRP)])
        pltpu.sync_copy(buf_d, gdy_out.at[pl.ds(e0, GRP)])
        return carry

    lax.fori_loop(0, GROUPS, body, 0)


_EB = 8192
_EBR = _EB // 8


def _effect_body(gsx_ref, gdy_ref,
                 bda, bdb, bdd, b0t, w1t, b1t, w2t, b2t, out_ref):
    sx = gsx_ref[...]
    dy = gdy_ref[...]
    h = jnp.dot(_unpack_hi(sx), bda[...], preferred_element_type=jnp.float32)
    h += jnp.dot(_unpack_hi(dy), bdb[...], preferred_element_type=jnp.float32)
    h += jnp.dot(_unpack_lo(sx) * _unpack_lo(dy), bdd[...],
                 preferred_element_type=jnp.float32)
    h = jax.nn.relu(h + b0t[...])
    h = jax.nn.relu(jnp.dot(h, w1t[...], preferred_element_type=jnp.float32)
                    + b1t[...])
    out_ref[...] = (jnp.dot(h, w2t[...], preferred_element_type=jnp.float32)
                    + b2t[...])


def _effects(gsx8, gdy8, p_eff):
    w0, b0, w1, b1, w2, b2 = p_eff
    i8 = jnp.eye(8, dtype=jnp.float32)
    bda = jnp.kron(i8, w0[:SD])
    bdb = jnp.kron(i8, w0[SD:2 * SD])
    bdd = jnp.kron(i8, w0[2 * SD:])
    w1t = jnp.kron(i8, w1)
    w2t = jnp.kron(i8, w2)
    b0t = jnp.tile(b0, 8)[None, :]
    b1t = jnp.tile(b1, 8)[None, :]
    b2t = jnp.tile(b2, 8)[None, :]
    wargs = [bda, bdb, bdd, b0t, w1t, b1t, w2t, b2t]
    wspecs = [_full(a.shape) for a in wargs]
    return pl.pallas_call(
        _effect_body,
        grid=(CHUNK_E // _EB,),
        in_specs=[pl.BlockSpec((_EBR, 128), lambda i: (i, 0))] * 2 + wspecs,
        out_specs=pl.BlockSpec((_EBR, 128), lambda i: (i, 0)),
        out_shape=jax.ShapeDtypeStruct((CHUNK_E // 8, 128), jnp.float32),
    )(gsx8, gdy8, *wargs)


@functools.lru_cache(maxsize=1)
def _make_segsum_k():
    return functools.partial(
        pl.kernel,
        out_type=jax.ShapeDtypeStruct((NC, NT, ED), jnp.float32),
        mesh=_sc_mesh(),
        scratch_types=[
            pltpu.VMEM((GRP // CH, CH), jnp.int32),
            pltpu.VMEM((GRP, ED), jnp.float32),
            pltpu.VMEM_SHARED((NT, ED), jnp.float32),
            pltpu.SemaphoreType.DMA,
        ],
        compiler_params=_sc_params,
    )(_segsum_body)


def _segsum_body(eff_hbm, srcn, out_hbm, idx_v, ebuf, tot_sh, sem):
    c = lax.axis_index("c")
    s = lax.axis_index("s")
    rows_per_grp = GRP // CH

    def zb(i, carry):
        ebuf[i] = jnp.zeros((ED,), jnp.float32)
        return carry

    lax.fori_loop(0, GRP, zb, 0)
    for k in range(ZR // GRP):
        pltpu.sync_copy(ebuf, tot_sh.at[pl.ds(s * ZR + k * GRP, GRP)])
    pltpu.sync_copy(ebuf.at[pl.ds(0, ZR % GRP)],
                    tot_sh.at[pl.ds(s * ZR + (ZR // GRP) * GRP, ZR % GRP)])
    plsc.subcore_barrier()

    wid = c * NS + s

    def body(g, carry):
        r0 = wid * (PER_TILE // CH) + g * rows_per_grp
        pltpu.sync_copy(srcn.at[pl.ds(r0, rows_per_grp)], idx_v)
        e0 = wid * PER_TILE + g * GRP
        pltpu.sync_copy(eff_hbm.at[pl.ds(e0, GRP)], ebuf)
        for j in range(rows_per_grp):
            pltpu.sync_copy(ebuf.at[pl.ds(j * CH, CH)],
                            tot_sh.at[idx_v.at[j]], add=True)
        return carry

    lax.fori_loop(0, GROUPS, body, 0)
    plsc.subcore_barrier()

    pltpu.sync_copy(tot_sh.at[pl.ds(s * ZR, ZR)],
                    out_hbm.at[c].at[pl.ds(s * ZR, ZR)])


def _apply_body(cells_ref, tot_ref,
                a0, a1, a2, a3, a4, a5, e0, e1, e2, e3, e4, e5,
                bc, bt, bd, q0, q1, q2, q3, q4, out_ref):
    x = cells_ref[...]
    tot = tot_ref[0] + tot_ref[1]
    adotp = (_bd_mlp(x, (a0, a1, a2, a3, a4, a5))
             * _bd_mlp(tot, (e0, e1, e2, e3, e4, e5)))
    h = jnp.dot(x, bc[...], preferred_element_type=jnp.float32)
    h += jnp.dot(tot, bt[...], preferred_element_type=jnp.float32)
    h += jnp.dot(adotp, bd[...], preferred_element_type=jnp.float32)
    h = jax.nn.relu(h + q0[...])
    h = jax.nn.relu(jnp.dot(h, q1[...], preferred_element_type=jnp.float32)
                    + q2[...])
    out_ref[...] = (jnp.dot(h, q3[...], preferred_element_type=jnp.float32)
                    + q4[...])


def _apply(cells_pack, tot8, p_adc, p_ade, p_app):
    w0, b0, w1, b1, w2, b2 = p_app
    i8 = jnp.eye(8, dtype=jnp.float32)
    bc = jnp.kron(i8, w0[:SD])
    bt = jnp.kron(i8, w0[SD:SD + ED])
    bd = jnp.kron(i8, w0[SD + ED:])
    q0 = jnp.tile(b0, 8)[None, :]
    q1 = jnp.kron(i8, w1)
    q2 = jnp.tile(b1, 8)[None, :]
    q3 = jnp.kron(i8, w2)
    q4 = jnp.tile(b2, 8)[None, :]
    wargs = (list(_kron_mlp(p_adc)) + list(_kron_mlp(p_ade))
             + [bc, bt, bd, q0, q1, q2, q3, q4])
    wspecs = [_full(a.shape) for a in wargs]
    return pl.pallas_call(
        _apply_body,
        grid=(NP // _RB,),
        in_specs=[pl.BlockSpec((_RBP, 128), lambda i: (i, 0)),
                  pl.BlockSpec((NC, _RBP, 128), lambda i: (0, i, 0))] + wspecs,
        out_specs=pl.BlockSpec((_RBP, 128), lambda i: (i, 0)),
        out_shape=jax.ShapeDtypeStruct((NP // 8, 128), jnp.float32),
    )(cells_pack, tot8, *wargs)


def kernel(grid_obs, start_hidden, p_edc, p_edn, p_eff, p_adc, p_ade, p_app,
           effect_src, effect_dst):
    cells = jnp.concatenate([grid_obs[0], start_hidden], axis=-1)
    cells_pack = jnp.pad(cells, ((0, NP - N), (0, 0))).reshape(NP // 8, 128)

    src32 = effect_src.astype(jnp.int32)
    dst32 = effect_dst.astype(jnp.int32)
    pad = EP - E
    spread = (jnp.arange(pad, dtype=jnp.int32) * 127) % N
    src_gf = jnp.concatenate([src32, spread])
    dst_gf = jnp.concatenate([dst32, spread])
    src_nf = jnp.concatenate([src32, jnp.full((pad,), N, jnp.int32)])
    rows_c = CHUNK_E // CH

    sx8, dy8 = _percell(cells_pack, p_edc, p_edn)
    sx_t = sx8.reshape(NP, SD)
    dy_t = dy8.reshape(NP, SD)

    tots = []
    for k in range(SPLIT):
        sl = slice(k * CHUNK_E, (k + 1) * CHUNK_E)
        src_g = src_gf[sl].reshape(rows_c, CH)
        dst_g = dst_gf[sl].reshape(rows_c, CH)
        src_n = src_nf[sl].reshape(rows_c, CH)
        gsx, gdy = _make_gather_k()(sx_t, dy_t, src_g, dst_g)
        eff8 = _effects(gsx.reshape(CHUNK_E // 8, 128),
                        gdy.reshape(CHUNK_E // 8, 128), p_eff)
        tots.append(_make_segsum_k()(eff8.reshape(CHUNK_E, ED), src_n))

    tot8 = tots[0] if SPLIT == 1 else None
    out_pack = _apply(cells_pack, tot8.reshape(NC, NT // 8, 128),
                      p_adc, p_ade, p_app)
    return out_pack.reshape(NP, SD)[:N, :OBS].reshape(1, 1, N, OBS)

# --- scband reference (transcript-rebuilt; emitter-appended) ---
"""Pipeline reference for scband-tf-grid-79740362817903 (READ-ONLY COPY).

The authoritative reference and input builder live on the scoring server;
editing this copy changes nothing except your own understanding.
"""

import jax, jax.numpy as jnp
import numpy as np

N = 100000        # n_cells
E = 1600000       # n_effects (nonzeros of adjacency A)
OBS = 8           # obs_dim
HID = 8           # hidden_dim
SD = OBS + HID    # state_dim
ED = 16           # effect_dim
DP = 16           # effect/apply dotp dim
HSZ = [32, 32]    # MLP hidden sizes
T = 1             # time_horizon


def _mlp_params(key, sizes):
    # Dense(h0, relu), Dense(h1, relu), Dense(out)  -- matches create_MLP
    params = []
    for i in range(len(sizes) - 1):
        key, k1 = jax.random.split(key)
        W = jax.random.normal(k1, (sizes[i], sizes[i + 1]), jnp.float32) * (1.0 / np.sqrt(sizes[i]))
        b = jnp.zeros((sizes[i + 1],), jnp.float32)
        params.append(W)
        params.append(b)
    return tuple(params)


def _mlp_apply(params, x):
    W0, b0, W1, b1, W2, b2 = params
    x = jax.nn.relu(x @ W0 + b0)
    x = jax.nn.relu(x @ W1 + b1)
    return x @ W2 + b2


def setup_inputs(seed: int = 0):
    key = jax.random.key(seed)
    ks = jax.random.split(key, 10)
    grid_obs = jax.random.normal(ks[0], (1, N, OBS), jnp.float32)
    # effect_inds from np.nonzero(A): row indices sorted ascending (required by tf.math.segment_sum)
    effect_src = jnp.sort(jax.random.randint(ks[1], (E,), 0, N)).astype(jnp.int64)
    effect_dst = jax.random.randint(ks[2], (E,), 0, N).astype(jnp.int64)
    start_hidden = jnp.zeros((N, HID), jnp.float32)  # tf.Variable initialized to zeros
    p_edc = _mlp_params(ks[3], [SD] + HSZ + [DP])            # effect_dotp_cell_MLP
    p_edn = _mlp_params(ks[4], [SD] + HSZ + [DP])            # effect_dotp_neighbor_MLP
    p_eff = _mlp_params(ks[5], [2 * SD + DP] + HSZ + [ED])   # effect_MLP
    p_adc = _mlp_params(ks[6], [SD] + HSZ + [DP])            # apply_dotp_cell_MLP
    p_ade = _mlp_params(ks[7], [ED] + HSZ + [DP])            # apply_dotp_effect_MLP
    p_app = _mlp_params(ks[8], [SD + ED + DP] + HSZ + [SD])  # apply_MLP
    return {
        "grid_obs": grid_obs,
        "start_hidden": start_hidden,
        "p_edc": p_edc,
        "p_edn": p_edn,
        "p_eff": p_eff,
        "p_adc": p_adc,
        "p_ade": p_ade,
        "p_app": p_app,
        "effect_src": effect_src,
        "effect_dst": effect_dst,
    }


def reference(grid_obs, start_hidden, p_edc, p_edn, p_eff, p_adc, p_ade, p_app, effect_src, effect_dst):
    B = grid_obs.shape[0]  # batch = 1
    batch_cells = jnp.concatenate([grid_obs, jnp.tile(start_hidden[None], (B, 1, 1))], -1)
    cells = batch_cells.reshape(B * N, SD)
    preds = []
    for t in range(T):
        bc = batch_cells[0]
        # embedding_lookup(cells, effect_inds): gather both endpoints of every effect edge
        effect_cells = bc[effect_src]
        effect_neighbors = bc[effect_dst]
        dotp = _mlp_apply(p_edc, effect_cells) * _mlp_apply(p_edn, effect_neighbors)
        effect_in = jnp.concatenate([effect_cells, effect_neighbors, dotp], -1)
        effects = _mlp_apply(p_eff, effect_in)
        # tf.math.segment_sum over sorted effect_inds[0]
        tot_effects = jax.ops.segment_sum(effects, effect_src, num_segments=N)
        adotp = _mlp_apply(p_adc, cells) * _mlp_apply(p_ade, tot_effects)
        apply_in = jnp.concatenate([cells, tot_effects, adotp], -1)
        cells = _mlp_apply(p_app, apply_in)
        batch_cells = cells.reshape(B, N, SD)
        preds.append(batch_cells[:, :, :OBS])
    return jnp.stack(preds, 1)

if __name__ == "__main__":
    import jax
    _d = setup_inputs()
    print(jax.jit(kernel)(*tuple(_d.values())))

</pallas_src>

<mosaic_0001>
#map = affine_map<(d0, d1) -> (0, 0)>
module attributes {stable_mosaic.version = 14 : i64} {
  func.func @_gather_body(%arg0: i32, %arg1: i32, %arg2: memref<102400x16xi32, #tpu.memory_space<hbm>>, %arg3: memref<102400x16xi32, #tpu.memory_space<hbm>>, %arg4: memref<12800x128xi32, #tpu.memory_space<hbm>>, %arg5: memref<12800x128xi32, #tpu.memory_space<hbm>>, %arg6: memref<1638400x16xi32, #tpu.memory_space<hbm>>, %arg7: memref<1638400x16xi32, #tpu.memory_space<hbm>>, %arg8: memref<8x128xi32, #tpu.memory_space<vmem>>, %arg9: memref<8x128xi32, #tpu.memory_space<vmem>>, %arg10: memref<1024x16xi32, #tpu.memory_space<vmem>>, %arg11: memref<1024x16xi32, #tpu.memory_space<vmem>>, %arg12: memref<!tpu.dma_semaphore, #tpu.memory_space<semaphore_mem>>) attributes {dimension_semantics = [#tpu.dimension_semantics<core_parallel>, #tpu.dimension_semantics<subcore_parallel>], iteration_bounds = array<i64: 2, 16>, scalar_prefetch = 0 : i64, scratch_operands = 5 : i64, tpu.core_type = #tpu.core_type<sc_vector_subcore>, window_params = [{transform_indices = #map}, {transform_indices = #map}, {transform_indices = #map}, {transform_indices = #map}, {transform_indices = #map}, {transform_indices = #map}]} {
    %mul3A = arith.constant 16 : i32
    %mul3A_0 = arith.muli %arg0, %mul3A : i32
    %add3A = arith.addi %mul3A_0, %arg1 : i32
    %scan3A = arith.constant 0 : i32
    %scan3A_1 = arith.constant 0 : i32
    %scan3A_2 = arith.constant 50 : i32
    %scan3A_3 = arith.addi %scan3A_1, %scan3A_2 : i32
    %scan3A_4 = arith.constant 1 : i32
    scf.for %scan3A_6 = %scan3A_1 to %scan3A_3 step %scan3A_4  : i32 {
      %mul3A_7 = arith.constant 400 : i32
      %mul3A_8 = arith.muli %add3A, %mul3A_7 : i32
      %mul3A_9 = arith.constant 8 : i32
      %mul3A_10 = arith.muli %scan3A_6, %mul3A_9 : i32
      %add3A_11 = arith.addi %mul3A_8, %mul3A_10 : i32
      "tpu.region"() ({
        %run_scoped3A = tpu.sem_alloc : memref<!tpu.dma_semaphore, #tpu.memory_space<semaphore_mem>>
        %dma_start3A_335 = arith.constant 0 : i32
        %dma_start3A_336 = tpu.memref_slice %arg4[%add3A_11, %dma_start3A_335] : memref<12800x128xi32, #tpu.memory_space<hbm>> -> memref<8x128xi32, #tpu.memory_space<hbm>>
        %dma_start3A_337 = arith.constant 0 : i32
        %dma_start3A_338 = tpu.memref_slice %arg4[%add3A_11, %dma_start3A_337] : memref<12800x128xi32, #tpu.memory_space<hbm>> -> memref<8x128xi32, #tpu.memory_space<hbm>>
        tpu.enqueue_dma source(%dma_start3A_338 : memref<8x128xi32, #tpu.memory_space<hbm>>) target(%arg8 : memref<8x128xi32, #tpu.memory_space<vmem>>) target_semaphore(%run_scoped3A : memref<!tpu.dma_semaphore, #tpu.memory_space<semaphore_mem>>)
        %dma_wait3A_339 = arith.constant 0 : i32
        %dma_wait3A_340 = tpu.memref_slice %arg4[%add3A_11, %dma_wait3A_339] : memref<12800x128xi32, #tpu.memory_space<hbm>> -> memref<8x128xi32, #tpu.memory_space<hbm>>
        %dma_wait3A_341 = arith.constant 0 : i32
        %dma_wait3A_342 = tpu.memref_slice %arg4[%add3A_11, %dma_wait3A_341] : memref<12800x128xi32, #tpu.memory_space<hbm>> -> memref<8x128xi32, #tpu.memory_space<hbm>>
        tpu.wait_dma2 semaphore(%run_scoped3A : memref<!tpu.dma_semaphore, #tpu.memory_space<semaphore_mem>>) src(%dma_wait3A_342 : memref<8x128xi32, #tpu.memory_space<hbm>>) dst(%arg8 : memref<8x128xi32, #tpu.memory_space<vmem>>)
        tpu.yield
      }) : () -> ()
      "tpu.region"() ({
        %run_scoped3A = tpu.sem_alloc : memref<!tpu.dma_semaphore, #tpu.memory_space<semaphore_mem>>
        %dma_start3A_335 = arith.constant 0 : i32
        %dma_start3A_336 = tpu.memref_slice %arg5[%add3A_11, %dma_start3A_335] : memref<12800x128xi32, #tpu.memory_space<hbm>> -> memref<8x128xi32, #tpu.memory_space<hbm>>
        %dma_start3A_337 = arith.constant 0 : i32
        %dma_start3A_338 = tpu.memref_slice %arg5[%add3A_11, %dma_start3A_337] : memref<12800x128xi32, #tpu.memory_space<hbm>> -> memref<8x128xi32, #tpu.memory_space<hbm>>
        tpu.enqueue_dma source(%dma_start3A_338 : memref<8x128xi32, #tpu.memory_space<hbm>>) target(%arg9 : memref<8x128xi32, #tpu.memory_space<vmem>>) target_semaphore(%run_scoped3A : memref<!tpu.dma_semaphore, #tpu.memory_space<semaphore_mem>>)
        %dma_wait3A_339 = arith.constant 0 : i32
        %dma_wait3A_340 = tpu.memref_slice %arg5[%add3A_11, %dma_wait3A_339] : memref<12800x128xi32, #tpu.memory_space<hbm>> -> memref<8x128xi32, #tpu.memory_space<hbm>>
        %dma_wait3A_341 = arith.constant 0 : i32
        %dma_wait3A_342 = tpu.memref_slice %arg5[%add3A_11, %dma_wait3A_341] : memref<12800x128xi32, #tpu.memory_space<hbm>> -> memref<8x128xi32, #tpu.memory_space<hbm>>
        tpu.wait_dma2 semaphore(%run_scoped3A : memref<!tpu.dma_semaphore, #tpu.memory_space<semaphore_mem>>) src(%dma_wait3A_342 : memref<8x128xi32, #tpu.memory_space<hbm>>) dst(%arg9 : memref<8x128xi32, #tpu.memory_space<vmem>>)
        tpu.yield
      }) : () -> ()
      %dma_start3A = arith.constant 0 : i32
      %dma_start3A_12 = arith.constant 0 : i32
      %dma_start3A_13 = arith.constant 0 : i32
      %dma_start3A_14 = tpu.memref_slice %arg10[%dma_start3A_12, %dma_start3A_13] : memref<1024x16xi32, #tpu.memory_space<vmem>> -> memref<128x16xi32, #tpu.memory_space<vmem>>
      %dma_start3A_15 = arith.constant 0 : i32
      %dma_start3A_16 = tpu.memref_slice %arg8[%dma_start3A, %dma_start3A_15] : memref<8x128xi32, #tpu.memory_space<vmem>> -> memref<1x128xi32, #tpu.memory_space<vmem>>
      %dma_start3A_17 = tpu.memref_squeeze %dma_start3A_16 : memref<1x128xi32, #tpu.memory_space<vmem>> -> memref<128xi32, #tpu.memory_space<vmem>>
      %dma_start3A_18 = arith.constant 0 : i32
      %dma_start3A_19 = arith.constant 0 : i32
      %dma_start3A_20 = tpu.memref_slice %arg2[%dma_start3A_18, %dma_start3A_19] : memref<102400x16xi32, #tpu.memory_space<hbm>> -> memref<102400x16xi32, #tpu.memory_space<hbm>>
      tpu.enqueue_indirect_dma source(%dma_start3A_20 : memref<102400x16xi32, #tpu.memory_space<hbm>>) target(%dma_start3A_14 : memref<128x16xi32, #tpu.memory_space<vmem>>) offsets(%dma_start3A_17 : memref<128xi32, #tpu.memory_space<vmem>>) semaphore(%arg12 : memref<!tpu.dma_semaphore, #tpu.memory_space<semaphore_mem>>)
      %dma_start3A_21 = arith.constant 0 : i32
      %dma_start3A_22 = arith.constant 0 : i32
      %dma_start3A_23 = arith.constant 0 : i32
      %dma_start3A_24 = tpu.memref_slice %arg11[%dma_start3A_22, %dma_start3A_23] : memref<1024x16xi32, #tpu.memory_space<vmem>> -> memref<128x16xi32, #tpu.memory_space<vmem>>
      %dma_start3A_25 = arith.constant 0 : i32
      %dma_start3A_26 = tpu.memref_slice %arg9[%dma_start3A_21, %dma_start3A_25] : memref<8x128xi32, #tpu.memory_space<vmem>> -> memref<1x128xi32, #tpu.memory_space<vmem>>
      %dma_start3A_27 = tpu.memref_squeeze %dma_start3A_26 : memref<1x128xi32, #tpu.memory_space<vmem>> -> memref<128xi32, #tpu.memory_space<vmem>>
      %dma_start3A_28 = arith.constant 0 : i32
      %dma_start3A_29 = arith.constant 0 : i32
      %dma_start3A_30 = tpu.memref_slice %arg3[%dma_start3A_28, %dma_start3A_29] : memref<102400x16xi32, #tpu.memory_space<hbm>> -> memref<102400x16xi32, #tpu.memory_space<hbm>>
      tpu.enqueue_indirect_dma source(%dma_start3A_30 : memref<102400x16xi32, #tpu.memory_space<hbm>>) target(%dma_start3A_24 : memref<128x16xi32, #tpu.memory_space<vmem>>) offsets(%dma_start3A_27 : memref<128xi32, #tpu.memory_space<vmem>>) semaphore(%arg12 : memref<!tpu.dma_semaphore, #tpu.memory_space<semaphore_mem>>)
      %dma_start3A_31 = arith.constant 1 : i32
      %dma_start3A_32 = arith.constant 128 : i32
      %dma_start3A_33 = arith.constant 0 : i32
      %dma_start3A_34 = tpu.memref_slice %arg10[%dma_start3A_32, %dma_start3A_33] : memref<1024x16xi32, #tpu.memory_space<vmem>> -> memref<128x16xi32, #tpu.memory_space<vmem>>
      %dma_start3A_35 = arith.constant 0 : i32
      %dma_start3A_36 = tpu.memref_slice %arg8[%dma_start3A_31, %dma_start3A_35] : memref<8x128xi32, #tpu.memory_space<vmem>> -> memref<1x128xi32, #tpu.memory_space<vmem>>
      %dma_start3A_37 = tpu.memref_squeeze %dma_start3A_36 : memref<1x128xi32, #tpu.memory_space<vmem>> -> memref<128xi32, #tpu.memory_space<vmem>>
      %dma_start3A_38 = arith.constant 0 : i32
      %dma_start3A_39 = arith.constant 0 : i32
      %dma_start3A_40 = tpu.memref_slice %arg2[%dma_start3A_38, %dma_start3A_39] : memref<102400x16xi32, #tpu.memory_space<hbm>> -> memref<102400x16xi32, #tpu.memory_space<hbm>>
      tpu.enqueue_indirect_dma source(%dma_start3A_40 : memref<102400x16xi32, #tpu.memory_space<hbm>>) target(%dma_start3A_34 : memref<128x16xi32, #tpu.memory_space<vmem>>) offsets(%dma_start3A_37 : memref<128xi32, #tpu.memory_space<vmem>>) semaphore(%arg12 : memref<!tpu.dma_semaphore, #tpu.memory_space<semaphore_mem>>)
      %dma_start3A_41 = arith.constant 1 : i32
      %dma_start3A_42 = arith.constant 128 : i32
      %dma_start3A_43 = arith.constant 0 : i32
      %dma_start3A_44 = tpu.memref_slice %arg11[%dma_start3A_42, %dma_start3A_43] : memref<1024x16xi32, #tpu.memory_space<vmem>> -> memref<128x16xi32, #tpu.memory_space<vmem>>
      %dma_start3A_45 = arith.constant 0 : i32
      %dma_start3A_46 = tpu.memref_slice %arg9[%dma_start3A_41, %dma_start3A_45] : memref<8x128xi32, #tpu.memory_space<vmem>> -> memref<1x128xi32, #tpu.memory_space<vmem>>
      %dma_start3A_47 = tpu.memref_squeeze %dma_start3A_46 : memref<1x128xi32, #tpu.memory_space<vmem>> -> memref<128xi32, #tpu.memory_space<vmem>>
      %dma_start3A_48 = arith.constant 0 : i32
      %dma_start3A_49 = arith.constant 0 : i32
      %dma_start3A_50 = tpu.memref_slice %arg3[%dma_start3A_48, %dma_start3A_49] : memref<102400x16xi32, #tpu.memory_space<hbm>> -> memref<102400x16xi32, #tpu.memory_space<hbm>>
      tpu.enqueue_indirect_dma source(%dma_start3A_50 : memref<102400x16xi32, #tpu.memory_space<hbm>>) target(%dma_start3A_44 : memref<128x16xi32, #tpu.memory_space<vmem>>) offsets(%dma_start3A_47 : memref<128xi32, #tpu.memory_space<vmem>>) semaphore(%arg12 : memref<!tpu.dma_semaphore, #tpu.memory_space<semaphore_mem>>)
      %dma_start3A_51 = arith.constant 2 : i32
      %dma_start3A_52 = arith.constant 256 : i32
      %dma_start3A_53 = arith.constant 0 : i32
      %dma_start3A_54 = tpu.memref_slice %arg10[%dma_start3A_52, %dma_start3A_53] : memref<1024x16xi32, #tpu.memory_space<vmem>> -> memref<128x16xi32, #tpu.memory_space<vmem>>
      %dma_start3A_55 = arith.constant 0 : i32
      %dma_start3A_56 = tpu.memref_slice %arg8[%dma_start3A_51, %dma_start3A_55] : memref<8x128xi32, #tpu.memory_space<vmem>> -> memref<1x128xi32, #tpu.memory_space<vmem>>
      %dma_start3A_57 = tpu.memref_squeeze %dma_start3A_56 : memref<1x128xi32, #tpu.memory_space<vmem>> -> memref<128xi32, #tpu.memory_space<vmem>>
      %dma_start3A_58 = arith.constant 0 : i32
      %dma_start3A_59 = arith.constant 0 : i32
      %dma_start3A_60 = tpu.memref_slice %arg2[%dma_start3A_58, %dma_start3A_59] : memref<102400x16xi32, #tpu.memory_space<hbm>> -> memref<102400x16xi32, #tpu.memory_space<hbm>>
      tpu.enqueue_indirect_dma source(%dma_start3A_60 : memref<102400x16xi32, #tpu.memory_space<hbm>>) target(%dma_start3A_54 : memref<128x16xi32, #tpu.memory_space<vmem>>) offsets(%dma_start3A_57 : memref<128xi32, #tpu.memory_space<vmem>>) semaphore(%arg12 : memref<!tpu.dma_semaphore, #tpu.memory_space<semaphore_mem>>)
      %dma_start3A_61 = arith.constant 2 : i32
      %dma_start3A_62 = arith.constant 256 : i32
      %dma_start3A_63 = arith.constant 0 : i32
      %dma_start3A_64 = tpu.memref_slice %arg11[%dma_start3A_62, %dma_start3A_63] : memref<1024x16xi32, #tpu.memory_space<vmem>> -> memref<128x16xi32, #tpu.memory_space<vmem>>
      %dma_start3A_65 = arith.constant 0 : i32
      %dma_start3A_66 = tpu.memref_slice %arg9[%dma_start3A_61, %dma_start3A_65] : memref<8x128xi32, #tpu.memory_space<vmem>> -> memref<1x128xi32, #tpu.memory_space<vmem>>
      %dma_start3A_67 = tpu.memref_squeeze %dma_start3A_66 : memref<1x128xi32, #tpu.memory_space<vmem>> -> memref<128xi32, #tpu.memory_space<vmem>>
      %dma_start3A_68 = arith.constant 0 : i32
      %dma_start3A_69 = arith.constant 0 : i32
      %dma_start3A_70 = tpu.memref_slice %arg3[%dma_start3A_68, %dma_start3A_69] : memref<102400x16xi32, #tpu.memory_space<hbm>> -> memref<102400x16xi32, #tpu.memory_space<hbm>>
      tpu.enqueue_indirect_dma source(%dma_start3A_70 : memref<102400x16xi32, #tpu.memory_space<hbm>>) target(%dma_start3A_64 : memref<128x16xi32, #tpu.memory_space<vmem>>) offsets(%dma_start3A_67 : memref<128xi32, #tpu.memory_space<vmem>>) semaphore(%arg12 : memref<!tpu.dma_semaphore, #tpu.memory_space<semaphore_mem>>)
      %dma_start3A_71 = arith.constant 3 : i32
      %dma_start3A_72 = arith.constant 384 : i32
      %dma_start3A_73 = arith.constant 0 : i32
      %dma_start3A_74 = tpu.memref_slice %arg10[%dma_start3A_72, %dma_start3A_73] : memref<1024x16xi32, #tpu.memory_space<vmem>> -> memref<128x16xi32, #tpu.memory_space<vmem>>
      %dma_start3A_75 = arith.constant 0 : i32
      %dma_start3A_76 = tpu.memref_slice %arg8[%dma_start3A_71, %dma_start3A_75] : memref<8x128xi32, #tpu.memory_space<vmem>> -> memref<1x128xi32, #tpu.memory_space<vmem>>
      %dma_start3A_77 = tpu.memref_squeeze %dma_start3A_76 : memref<1x128xi32, #tpu.memory_space<vmem>> -> memref<128xi32, #tpu.memory_space<vmem>>
      %dma_start3A_78 = arith.constant 0 : i32
      %dma_start3A_79 = arith.constant 0 : i32
      %dma_start3A_80 = tpu.memref_slice %arg2[%dma_start3A_78, %dma_start3A_79] : memref<102400x16xi32, #tpu.memory_space<hbm>> -> memref<102400x16xi32, #tpu.memory_space<hbm>>
      tpu.enqueue_indirect_dma source(%dma_start3A_80 : memref<102400x16xi32, #tpu.memory_space<hbm>>) target(%dma_start3A_74 : memref<128x16xi32, #tpu.memory_space<vmem>>) offsets(%dma_start3A_77 : memref<128xi32, #tpu.memory_space<vmem>>) semaphore(%arg12 : memref<!tpu.dma_semaphore, #tpu.memory_space<semaphore_mem>>)
      %dma_start3A_81 = arith.constant 3 : i32
      %dma_start3A_82 = arith.constant 384 : i32
      %dma_start3A_83 = arith.constant 0 : i32
      %dma_start3A_84 = tpu.memref_slice %arg11[%dma_start3A_82, %dma_start3A_83] : memref<1024x16xi32, #tpu.memory_space<vmem>> -> memref<128x16xi32, #tpu.memory_space<vmem>>
      %dma_start3A_85 = arith.constant 0 : i32
      %dma_start3A_86 = tpu.memref_slice %arg9[%dma_start3A_81, %dma_start3A_85] : memref<8x128xi32, #tpu.memory_space<vmem>> -> memref<1x128xi32, #tpu.memory_space<vmem>>
      %dma_start3A_87 = tpu.memref_squeeze %dma_start3A_86 : memref<1x128xi32, #tpu.memory_space<vmem>> -> memref<128xi32, #tpu.memory_space<vmem>>
      %dma_start3A_88 = arith.constant 0 : i32
      %dma_start3A_89 = arith.constant 0 : i32
      %dma_start3A_90 = tpu.memref_slice %arg3[%dma_start3A_88, %dma_start3A_89] : memref<102400x16xi32, #tpu.memory_space<hbm>> -> memref<102400x16xi32, #tpu.memory_space<hbm>>
      tpu.enqueue_indirect_dma source(%dma_start3A_90 : memref<102400x16xi32, #tpu.memory_space<hbm>>) target(%dma_start3A_84 : memref<128x16xi32, #tpu.memory_space<vmem>>) offsets(%dma_start3A_87 : memref<128xi32, #tpu.memory_space<vmem>>) semaphore(%arg12 : memref<!tpu.dma_semaphore, #tpu.memory_space<semaphore_mem>>)
      %dma_start3A_91 = arith.constant 4 : i32
      %dma_start3A_92 = arith.constant 512 : i32
      %dma_start3A_93 = arith.constant 0 : i32
      %dma_start3A_94 = tpu.memref_slice %arg10[%dma_start3A_92, %dma_start3A_93] : memref<1024x16xi32, #tpu.memory_space<vmem>> -> memref<128x16xi32, #tpu.memory_space<vmem>>
      %dma_start3A_95 = arith.constant 0 : i32
      %dma_start3A_96 = tpu.memref_slice %arg8[%dma_start3A_91, %dma_start3A_95] : memref<8x128xi32, #tpu.memory_space<vmem>> -> memref<1x128xi32, #tpu.memory_space<vmem>>
      %dma_start3A_97 = tpu.memref_squeeze %dma_start3A_96 : memref<1x128xi32, #tpu.memory_space<vmem>> -> memref<128xi32, #tpu.memory_space<vmem>>
      %dma_start3A_98 = arith.constant 0 : i32
      %dma_start3A_99 = arith.constant 0 : i32
      %dma_start3A_100 = tpu.memref_slice %arg2[%dma_start3A_98, %dma_start3A_99] : memref<102400x16xi32, #tpu.memory_space<hbm>> -> memref<102400x16xi32, #tpu.memory_space<hbm>>
      tpu.enqueue_indirect_dma source(%dma_start3A_100 : memref<102400x16xi32, #tpu.memory_space<hbm>>) target(%dma_start3A_94 : memref<128x16xi32, #tpu.memory_space<vmem>>) offsets(%dma_start3A_97 : memref<128xi32, #tpu.memory_space<vmem>>) semaphore(%arg12 : memref<!tpu.dma_semaphore, #tpu.memory_space<semaphore_mem>>)
      %dma_start3A_101 = arith.constant 4 : i32
      %dma_start3A_102 = arith.constant 512 : i32
      %dma_start3A_103 = arith.constant 0 : i32
      %dma_start3A_104 = tpu.memref_slice %arg11[%dma_start3A_102, %dma_start3A_103] : memref<1024x16xi32, #tpu.memory_space<vmem>> -> memref<128x16xi32, #tpu.memory_space<vmem>>
      %dma_start3A_105 = arith.constant 0 : i32
      %dma_start3A_106 = tpu.memref_slice %arg9[%dma_start3A_101, %dma_start3A_105] : memref<8x128xi32, #tpu.memory_space<vmem>> -> memref<1x128xi32, #tpu.memory_space<vmem>>
      %dma_start3A_107 = tpu.memref_squeeze %dma_start3A_106 : memref<1x128xi32, #tpu.memory_space<vmem>> -> memref<128xi32, #tpu.memory_space<vmem>>
      %dma_start3A_108 = arith.constant 0 : i32
      %dma_start3A_109 = arith.constant 0 : i32
      %dma_start3A_110 = tpu.memref_slice %arg3[%dma_start3A_108, %dma_start3A_109] : memref<102400x16xi32, #tpu.memory_space<hbm>> -> memref<102400x16xi32, #tpu.memory_space<hbm>>
      tpu.enqueue_indirect_dma source(%dma_start3A_110 : memref<102400x16xi32, #tpu.memory_space<hbm>>) target(%dma_start3A_104 : memref<128x16xi32, #tpu.memory_space<vmem>>) offsets(%dma_start3A_107 : memref<128xi32, #tpu.memory_space<vmem>>) semaphore(%arg12 : memref<!tpu.dma_semaphore, #tpu.memory_space<semaphore_mem>>)
      %dma_start3A_111 = arith.constant 5 : i32
      %dma_start3A_112 = arith.constant 640 : i32
      %dma_start3A_113 = arith.constant 0 : i32
      %dma_start3A_114 = tpu.memref_slice %arg10[%dma_start3A_112, %dma_start3A_113] : memref<1024x16xi32, #tpu.memory_space<vmem>> -> memref<128x16xi32, #tpu.memory_space<vmem>>
      %dma_start3A_115 = arith.constant 0 : i32
      %dma_start3A_116 = tpu.memref_slice %arg8[%dma_start3A_111, %dma_start3A_115] : memref<8x128xi32, #tpu.memory_space<vmem>> -> memref<1x128xi32, #tpu.memory_space<vmem>>
      %dma_start3A_117 = tpu.memref_squeeze %dma_start3A_116 : memref<1x128xi32, #tpu.memory_space<vmem>> -> memref<128xi32, #tpu.memory_space<vmem>>
      %dma_start3A_118 = arith.constant 0 : i32
      %dma_start3A_119 = arith.constant 0 : i32
      %dma_start3A_120 = tpu.memref_slice %arg2[%dma_start3A_118, %dma_start3A_119] : memref<102400x16xi32, #tpu.memory_space<hbm>> -> memref<102400x16xi32, #tpu.memory_space<hbm>>
      tpu.enqueue_indirect_dma source(%dma_start3A_120 : memref<102400x16xi32, #tpu.memory_space<hbm>>) target(%dma_start3A_114 : memref<128x16xi32, #tpu.memory_space<vmem>>) offsets(%dma_start3A_117 : memref<128xi32, #tpu.memory_space<vmem>>) semaphore(%arg12 : memref<!tpu.dma_semaphore, #tpu.memory_space<semaphore_mem>>)
      %dma_start3A_121 = arith.constant 5 : i32
      %dma_start3A_122 = arith.constant 640 : i32
      %dma_start3A_123 = arith.constant 0 : i32
      %dma_start3A_124 = tpu.memref_slice %arg11[%dma_start3A_122, %dma_start3A_123] : memref<1024x16xi32, #tpu.memory_space<vmem>> -> memref<128x16xi32, #tpu.memory_space<vmem>>
      %dma_start3A_125 = arith.constant 0 : i32
      %dma_start3A_126 = tpu.memref_slice %arg9[%dma_start3A_121, %dma_start3A_125] : memref<8x128xi32, #tpu.memory_space<vmem>> -> memref<1x128xi32, #tpu.memory_space<vmem>>
      %dma_start3A_127 = tpu.memref_squeeze %dma_start3A_126 : memref<1x128xi32, #tpu.memory_space<vmem>> -> memref<128xi32, #tpu.memory_space<vmem>>
      %dma_start3A_128 = arith.constant 0 : i32
      %dma_start3A_129 = arith.constant 0 : i32
      %dma_start3A_130 = tpu.memref_slice %arg3[%dma_start3A_128, %dma_start3A_129] : memref<102400x16xi32, #tpu.memory_space<hbm>> -> memref<102400x16xi32, #tpu.memory_space<hbm>>
      tpu.enqueue_indirect_dma source(%dma_start3A_130 : memref<102400x16xi32, #tpu.memory_space<hbm>>) target(%dma_start3A_124 : memref<128x16xi32, #tpu.memory_space<vmem>>) offsets(%dma_start3A_127 : memref<128xi32, #tpu.memory_space<vmem>>) semaphore(%arg12 : memref<!tpu.dma_semaphore, #tpu.memory_space<semaphore_mem>>)
      %dma_start3A_131 = arith.constant 6 : i32
      %dma_start3A_132 = arith.constant 768 : i32
      %dma_start3A_133 = arith.constant 0 : i32
      %dma_start3A_134 = tpu.memref_slice %arg10[%dma_start3A_132, %dma_start3A_133] : memref<1024x16xi32, #tpu.memory_space<vmem>> -> memref<128x16xi32, #tpu.memory_space<vmem>>
      %dma_start3A_135 = arith.constant 0 : i32
      %dma_start3A_136 = tpu.memref_slice %arg8[%dma_start3A_131, %dma_start3A_135] : memref<8x128xi32, #tpu.memory_space<vmem>> -> memref<1x128xi32, #tpu.memory_space<vmem>>
      %dma_start3A_137 = tpu.memref_squeeze %dma_start3A_136 : memref<1x128xi32, #tpu.memory_space<vmem>> -> memref<128xi32, #tpu.memory_space<vmem>>
      %dma_start3A_138 = arith.constant 0 : i32
      %dma_start3A_139 = arith.constant 0 : i32
      %dma_start3A_140 = tpu.memref_slice %arg2[%dma_start3A_138, %dma_start3A_139] : memref<102400x16xi32, #tpu.memory_space<hbm>> -> memref<102400x16xi32, #tpu.memory_space<hbm>>
      tpu.enqueue_indirect_dma source(%dma_start3A_140 : memref<102400x16xi32, #tpu.memory_space<hbm>>) target(%dma_start3A_134 : memref<128x16xi32, #tpu.memory_space<vmem>>) offsets(%dma_start3A_137 : memref<128xi32, #tpu.memory_space<vmem>>) semaphore(%arg12 : memref<!tpu.dma_semaphore, #tpu.memory_space<semaphore_mem>>)
      %dma_start3A_141 = arith.constant 6 : i32
      %dma_start3A_142 = arith.constant 768 : i32
      %dma_start3A_143 = arith.constant 0 : i32
      %dma_start3A_144 = tpu.memref_slice %arg11[%dma_start3A_142, %dma_start3A_143] : memref<1024x16xi32, #tpu.memory_space<vmem>> -> memref<128x16xi32, #tpu.memory_space<vmem>>
      %dma_start3A_145 = arith.constant 0 : i32
      %dma_start3A_146 = tpu.memref_slice %arg9[%dma_start3A_141, %dma_start3A_145] : memref<8x128xi32, #tpu.memory_space<vmem>> -> memref<1x128xi32, #tpu.memory_space<vmem>>
      %dma_start3A_147 = tpu.memref_squeeze %dma_start3A_146 : memref<1x128xi32, #tpu.memory_space<vmem>> -> memref<128xi32, #tpu.memory_space<vmem>>
      %dma_start3A_148 = arith.constant 0 : i32
      %dma_start3A_149 = arith.constant 0 : i32
      %dma_start3A_150 = tpu.memref_slice %arg3[%dma_start3A_148, %dma_start3A_149] : memref<102400x16xi32, #tpu.memory_space<hbm>> -> memref<102400x16xi32, #tpu.memory_space<hbm>>
      tpu.enqueue_indirect_dma source(%dma_start3A_150 : memref<102400x16xi32, #tpu.memory_space<hbm>>) target(%dma_start3A_144 : memref<128x16xi32, #tpu.memory_space<vmem>>) offsets(%dma_start3A_147 : memref<128xi32, #tpu.memory_space<vmem>>) semaphore(%arg12 : memref<!tpu.dma_semaphore, #tpu.memory_space<semaphore_mem>>)
      %dma_start3A_151 = arith.constant 7 : i32
      %dma_start3A_152 = arith.constant 896 : i32
      %dma_start3A_153 = arith.constant 0 : i32
      %dma_start3A_154 = tpu.memref_slice %arg10[%dma_start3A_152, %dma_start3A_153] : memref<1024x16xi32, #tpu.memory_space<vmem>> -> memref<128x16xi32, #tpu.memory_space<vmem>>
      %dma_start3A_155 = arith.constant 0 : i32
      %dma_start3A_156 = tpu.memref_slice %arg8[%dma_start3A_151, %dma_start3A_155] : memref<8x128xi32, #tpu.memory_space<vmem>> -> memref<1x128xi32, #tpu.memory_space<vmem>>
      %dma_start3A_157 = tpu.memref_squeeze %dma_start3A_156 : memref<1x128xi32, #tpu.memory_space<vmem>> -> memref<128xi32, #tpu.memory_space<vmem>>
      %dma_start3A_158 = arith.constant 0 : i32
      %dma_start3A_159 = arith.constant 0 : i32
      %dma_start3A_160 = tpu.memref_slice %arg2[%dma_start3A_158, %dma_start3A_159] : memref<102400x16xi32, #tpu.memory_space<hbm>> -> memref<102400x16xi32, #tpu.memory_space<hbm>>
      tpu.enqueue_indirect_dma source(%dma_start3A_160 : memref<102400x16xi32, #tpu.memory_space<hbm>>) target(%dma_start3A_154 : memref<128x16xi32, #tpu.memory_space<vmem>>) offsets(%dma_start3A_157 : memref<128xi32, #tpu.memory_space<vmem>>) semaphore(%arg12 : memref<!tpu.dma_semaphore, #tpu.memory_space<semaphore_mem>>)
      %dma_start3A_161 = arith.constant 7 : i32
      %dma_start3A_162 = arith.constant 896 : i32
      %dma_start3A_163 = arith.constant 0 : i32
      %dma_start3A_164 = tpu.memref_slice %arg11[%dma_start3A_162, %dma_start3A_163] : memref<1024x16xi32, #tpu.memory_space<vmem>> -> memref<128x16xi32, #tpu.memory_space<vmem>>
      %dma_start3A_165 = arith.constant 0 : i32
      %dma_start3A_166 = tpu.memref_slice %arg9[%dma_start3A_161, %dma_start3A_165] : memref<8x128xi32, #tpu.memory_space<vmem>> -> memref<1x128xi32, #tpu.memory_space<vmem>>
      %dma_start3A_167 = tpu.memref_squeeze %dma_start3A_166 : memref<1x128xi32, #tpu.memory_space<vmem>> -> memref<128xi32, #tpu.memory_space<vmem>>
      %dma_start3A_168 = arith.constant 0 : i32
      %dma_start3A_169 = arith.constant 0 : i32
      %dma_start3A_170 = tpu.memref_slice %arg3[%dma_start3A_168, %dma_start3A_169] : memref<102400x16xi32, #tpu.memory_space<hbm>> -> memref<102400x16xi32, #tpu.memory_space<hbm>>
      tpu.enqueue_indirect_dma source(%dma_start3A_170 : memref<102400x16xi32, #tpu.memory_space<hbm>>) target(%dma_start3A_164 : memref<128x16xi32, #tpu.memory_space<vmem>>) offsets(%dma_start3A_167 : memref<128xi32, #tpu.memory_space<vmem>>) semaphore(%arg12 : memref<!tpu.dma_semaphore, #tpu.memory_space<semaphore_mem>>)
      %dma_wait3A = arith.constant 0 : i32
      %dma_wait3A_171 = arith.constant 0 : i32
      %dma_wait3A_172 = arith.constant 0 : i32
      %dma_wait3A_173 = tpu.memref_slice %arg10[%dma_wait3A_171, %dma_wait3A_172] : memref<1024x16xi32, #tpu.memory_space<vmem>> -> memref<128x16xi32, #tpu.memory_space<vmem>>
      %dma_wait3A_174 = arith.constant 0 : i32
      %dma_wait3A_175 = tpu.memref_slice %arg8[%dma_wait3A, %dma_wait3A_174] : memref<8x128xi32, #tpu.memory_space<vmem>> -> memref<1x128xi32, #tpu.memory_space<vmem>>
      %dma_wait3A_176 = tpu.memref_squeeze %dma_wait3A_175 : memref<1x128xi32, #tpu.memory_space<vmem>> -> memref<128xi32, #tpu.memory_space<vmem>>
      %dma_wait3A_177 = arith.constant 0 : i32
      %dma_wait3A_178 = arith.constant 0 : i32
      %dma_wait3A_179 = tpu.memref_slice %arg2[%dma_wait3A_177, %dma_wait3A_178] : memref<102400x16xi32, #tpu.memory_space<hbm>> -> memref<102400x16xi32, #tpu.memory_space<hbm>>
      tpu.wait_indirect_dma semaphore(%arg12 : memref<!tpu.dma_semaphore, #tpu.memory_space<semaphore_mem>>) src(%dma_wait3A_179 : memref<102400x16xi32, #tpu.memory_space<hbm>>) dst(%dma_wait3A_173 : memref<128x16xi32, #tpu.memory_space<vmem>>)
      %dma_wait3A_180 = arith.constant 0 : i32
      %dma_wait3A_181 = arith.constant 0 : i32
      %dma_wait3A_182 = arith.constant 0 : i32
      %dma_wait3A_183 = tpu.memref_slice %arg11[%dma_wait3A_181, %dma_wait3A_182] : memref<1024x16xi32, #tpu.memory_space<vmem>> -> memref<128x16xi32, #tpu.memory_space<vmem>>
      %dma_wait3A_184 = arith.constant 0 : i32
      %dma_wait3A_185 = tpu.memref_slice %arg9[%dma_wait3A_180, %dma_wait3A_184] : memref<8x128xi32, #tpu.memory_space<vmem>> -> memref<1x128xi32, #tpu.memory_space<vmem>>
      %dma_wait3A_186 = tpu.memref_squeeze %dma_wait3A_185 : memref<1x128xi32, #tpu.memory_space<vmem>> -> memref<128xi32, #tpu.memory_space<vmem>>
      %dma_wait3A_187 = arith.constant 0 : i32
      %dma_wait3A_188 = arith.constant 0 : i32
      %dma_wait3A_189 = tpu.memref_slice %arg3[%dma_wait3A_187, %dma_wait3A_188] : memref<102400x16xi32, #tpu.memory_space<hbm>> -> memref<102400x16xi32, #tpu.memory_space<hbm>>
      tpu.wait_indirect_dma semaphore(%arg12 : memref<!tpu.dma_semaphore, #tpu.memory_space<semaphore_mem>>) src(%dma_wait3A_189 : memref<102400x16xi32, #tpu.memory_space<hbm>>) dst(%dma_wait3A_183 : memref<128x16xi32, #tpu.memory_space<vmem>>)
      %dma_wait3A_190 = arith.constant 1 : i32
      %dma_wait3A_191 = arith.constant 128 : i32
      %dma_wait3A_192 = arith.constant 0 : i32
      %dma_wait3A_193 = tpu.memref_slice %arg10[%dma_wait3A_191, %dma_wait3A_192] : memref<1024x16xi32, #tpu.memory_space<vmem>> -> memref<128x16xi32, #tpu.memory_space<vmem>>
      %dma_wait3A_194 = arith.constant 0 : i32
      %dma_wait3A_195 = tpu.memref_slice %arg8[%dma_wait3A_190, %dma_wait3A_194] : memref<8x128xi32, #tpu.memory_space<vmem>> -> memref<1x128xi32, #tpu.memory_space<vmem>>
      %dma_wait3A_196 = tpu.memref_squeeze %dma_wait3A_195 : memref<1x128xi32, #tpu.memory_space<vmem>> -> memref<128xi32, #tpu.memory_space<vmem>>
      %dma_wait3A_197 = arith.constant 0 : i32
      %dma_wait3A_198 = arith.constant 0 : i32
      %dma_wait3A_199 = tpu.memref_slice %arg2[%dma_wait3A_197, %dma_wait3A_198] : memref<102400x16xi32, #tpu.memory_space<hbm>> -> memref<102400x16xi32, #tpu.memory_space<hbm>>
      tpu.wait_indirect_dma semaphore(%arg12 : memref<!tpu.dma_semaphore, #tpu.memory_space<semaphore_mem>>) src(%dma_wait3A_199 : memref<102400x16xi32, #tpu.memory_space<hbm>>) dst(%dma_wait3A_193 : memref<128x16xi32, #tpu.memory_space<vmem>>)
      %dma_wait3A_200 = arith.constant 1 : i32
      %dma_wait3A_201 = arith.constant 128 : i32
      %dma_wait3A_202 = arith.constant 0 : i32
      %dma_wait3A_203 = tpu.memref_slice %arg11[%dma_wait3A_201, %dma_wait3A_202] : memref<1024x16xi32, #tpu.memory_space<vmem>> -> memref<128x16xi32, #tpu.memory_space<vmem>>
      %dma_wait3A_204 = arith.constant 0 : i32
      %dma_wait3A_205 = tpu.memref_slice %arg9[%dma_wait3A_200, %dma_wait3A_204] : memref<8x128xi32, #tpu.memory_space<vmem>> -> memref<1x128xi32, #tpu.memory_space<vmem>>
      %dma_wait3A_206 = tpu.memref_squeeze %dma_wait3A_205 : memref<1x128xi32, #tpu.memory_space<vmem>> -> memref<128xi32, #tpu.memory_space<vmem>>
      %dma_wait3A_207 = arith.constant 0 : i32
      %dma_wait3A_208 = arith.constant 0 : i32
      %dma_wait3A_209 = tpu.memref_slice %arg3[%dma_wait3A_207, %dma_wait3A_208] : memref<102400x16xi32, #tpu.memory_space<hbm>> -> memref<102400x16xi32, #tpu.memory_space<hbm>>
      tpu.wait_indirect_dma semaphore(%arg12 : memref<!tpu.dma_semaphore, #tpu.memory_space<semaphore_mem>>) src(%dma_wait3A_209 : memref<102400x16xi32, #tpu.memory_space<hbm>>) dst(%dma_wait3A_203 : memref<128x16xi32, #tpu.memory_space<vmem>>)
      %dma_wait3A_210 = arith.constant 2 : i32
      %dma_wait3A_211 = arith.constant 256 : i32
      %dma_wait3A_212 = arith.constant 0 : i32
      %dma_wait3A_213 = tpu.memref_slice %arg10[%dma_wait3A_211, %dma_wait3A_212] : memref<1024x16xi32, #tpu.memory_space<vmem>> -> memref<128x16xi32, #tpu.memory_space<vmem>>
      %dma_wait3A_214 = arith.constant 0 : i32
      %dma_wait3A_215 = tpu.memref_slice %arg8[%dma_wait3A_210, %dma_wait3A_214] : memref<8x128xi32, #tpu.memory_space<vmem>> -> memref<1x128xi32, #tpu.memory_space<vmem>>
      %dma_wait3A_216 = tpu.memref_squeeze %dma_wait3A_215 : memref<1x128xi32, #tpu.memory_space<vmem>> -> memref<128xi32, #tpu.memory_space<vmem>>
      %dma_wait3A_217 = arith.constant 0 : i32
      %dma_wait3A_218 = arith.constant 0 : i32
      %dma_wait3A_219 = tpu.memref_slice %arg2[%dma_wait3A_217, %dma_wait3A_218] : memref<102400x16xi32, #tpu.memory_space<hbm>> -> memref<102400x16xi32, #tpu.memory_space<hbm>>
      tpu.wait_indirect_dma semaphore(%arg12 : memref<!tpu.dma_semaphore, #tpu.memory_space<semaphore_mem>>) src(%dma_wait3A_219 : memref<102400x16xi32, #tpu.memory_space<hbm>>) dst(%dma_wait3A_213 : memref<128x16xi32, #tpu.memory_space<vmem>>)
      %dma_wait3A_220 = arith.constant 2 : i32
      %dma_wait3A_221 = arith.constant 256 : i32
      %dma_wait3A_222 = arith.constant 0 : i32
      %dma_wait3A_223 = tpu.memref_slice %arg11[%dma_wait3A_221, %dma_wait3A_222] : memref<1024x16xi32, #tpu.memory_space<vmem>> -> memref<128x16xi32, #tpu.memory_space<vmem>>
      %dma_wait3A_224 = arith.constant 0 : i32
      %dma_wait3A_225 = tpu.memref_slice %arg9[%dma_wait3A_220, %dma_wait3A_224] : memref<8x128xi32, #tpu.memory_space<vmem>> -> memref<1x128xi32, #tpu.memory_space<vmem>>
      %dma_wait3A_226 = tpu.memref_squeeze %dma_wait3A_225 : memref<1x128xi32, #tpu.memory_space<vmem>> -> memref<128xi32, #tpu.memory_space<vmem>>
      %dma_wait3A_227 = arith.constant 0 : i32
      %dma_wait3A_228 = arith.constant 0 : i32
      %dma_wait3A_229 = tpu.memref_slice %arg3[%dma_wait3A_227, %dma_wait3A_228] : memref<102400x16xi32, #tpu.memory_space<hbm>> -> memref<102400x16xi32, #tpu.memory_space<hbm>>
      tpu.wait_indirect_dma semaphore(%arg12 : memref<!tpu.dma_semaphore, #tpu.memory_space<semaphore_mem>>) src(%dma_wait3A_229 : memref<102400x16xi32, #tpu.memory_space<hbm>>) dst(%dma_wait3A_223 : memref<128x16xi32, #tpu.memory_space<vmem>>)
      %dma_wait3A_230 = arith.constant 3 : i32
      %dma_wait3A_231 = arith.constant 384 : i32
      %dma_wait3A_232 = arith.constant 0 : i32
      %dma_wait3A_233 = tpu.memref_slice %arg10[%dma_wait3A_231, %dma_wait3A_232] : memref<1024x16xi32, #tpu.memory_space<vmem>> -> memref<128x16xi32, #tpu.memory_space<vmem>>
      %dma_wait3A_234 = arith.constant 0 : i32
      %dma_wait3A_235 = tpu.memref_slice %arg8[%dma_wait3A_230, %dma_wait3A_234] : memref<8x128xi32, #tpu.memory_space<vmem>> -> memref<1x128xi32, #tpu.memory_space<vmem>>
      %dma_wait3A_236 = tpu.memref_squeeze %dma_wait3A_235 : memref<1x128xi32, #tpu.memory_space<vmem>> -> memref<128xi32, #tpu.memory_space<vmem>>
      %dma_wait3A_237 = arith.constant 0 : i32
      %dma_wait3A_238 = arith.constant 0 : i32
      %dma_wait3A_239 = tpu.memref_slice %arg2[%dma_wait3A_237, %dma_wait3A_238] : memref<102400x16xi32, #tpu.memory_space<hbm>> -> memref<102400x16xi32, #tpu.memory_space<hbm>>
      tpu.wait_indirect_dma semaphore(%arg12 : memref<!tpu.dma_semaphore, #tpu.memory_space<semaphore_mem>>) src(%dma_wait3A_239 : memref<102400x16xi32, #tpu.memory_space<hbm>>) dst(%dma_wait3A_233 : memref<128x16xi32, #tpu.memory_space<vmem>>)
      %dma_wait3A_240 = arith.constant 3 : i32
      %dma_wait3A_241 = arith.constant 384 : i32
      %dma_wait3A_242 = arith.constant 0 : i32
      %dma_wait3A_243 = tpu.memref_slice %arg11[%dma_wait3A_241, %dma_wait3A_242] : memref<1024x16xi32, #tpu.memory_space<vmem>> -> memref<128x16xi32, #tpu.memory_space<vmem>>
      %dma_wait3A_244 = arith.constant 0 : i32
      %dma_wait3A_245 = tpu.memref_slice %arg9[%dma_wait3A_240, %dma_wait3A_244] : memref<8x128xi32, #tpu.memory_space<vmem>> -> memref<1x128xi32, #tpu.memory_space<vmem>>
      %dma_wait3A_246 = tpu.memref_squeeze %dma_wait3A_245 : memref<1x128xi32, #tpu.memory_space<vmem>> -> memref<128xi32, #tpu.memory_space<vmem>>
      %dma_wait3A_247 = arith.constant 0 : i32
      %dma_wait3A_248 = arith.constant 0 : i32
      %dma_wait3A_249 = tpu.memref_slice %arg3[%dma_wait3A_247, %dma_wait3A_248] : memref<102400x16xi32, #tpu.memory_space<hbm>> -> memref<102400x16xi32, #tpu.memory_space<hbm>>
      tpu.wait_indirect_dma semaphore(%arg12 : memref<!tpu.dma_semaphore, #tpu.memory_space<semaphore_mem>>) src(%dma_wait3A_249 : memref<102400x16xi32, #tpu.memory_space<hbm>>) dst(%dma_wait3A_243 : memref<128x16xi32, #tpu.memory_space<vmem>>)
      %dma_wait3A_250 = arith.constant 4 : i32
      %dma_wait3A_251 = arith.constant 512 : i32
      %dma_wait3A_252 = arith.constant 0 : i32
      %dma_wait3A_253 = tpu.memref_slice %arg10[%dma_wait3A_251, %dma_wait3A_252] : memref<1024x16xi32, #tpu.memory_space<vmem>> -> memref<128x16xi32, #tpu.memory_space<vmem>>
      %dma_wait3A_254 = arith.constant 0 : i32
      %dma_wait3A_255 = tpu.memref_slice %arg8[%dma_wait3A_250, %dma_wait3A_254] : memref<8x128xi32, #tpu.memory_space<vmem>> -> memref<1x128xi32, #tpu.memory_space<vmem>>
      %dma_wait3A_256 = tpu.memref_squeeze %dma_wait3A_255 : memref<1x128xi32, #tpu.memory_space<vmem>> -> memref<128xi32, #tpu.memory_space<vmem>>
      %dma_wait3A_257 = arith.constant 0 : i32
      %dma_wait3A_258 = arith.constant 0 : i32
      %dma_wait3A_259 = tpu.memref_slice %arg2[%dma_wait3A_257, %dma_wait3A_258] : memref<102400x16xi32, #tpu.memory_space<hbm>> -> memref<102400x16xi32, #tpu.memory_space<hbm>>
      tpu.wait_indirect_dma semaphore(%arg12 : memref<!tpu.dma_semaphore, #tpu.memory_space<semaphore_mem>>) src(%dma_wait3A_259 : memref<102400x16xi32, #tpu.memory_space<hbm>>) dst(%dma_wait3A_253 : memref<128x16xi32, #tpu.memory_space<vmem>>)
      %dma_wait3A_260 = arith.constant 4 : i32
      %dma_wait3A_261 = arith.constant 512 : i32
      %dma_wait3A_262 = arith.constant 0 : i32
      %dma_wait3A_263 = tpu.memref_slice %arg11[%dma_wait3A_261, %dma_wait3A_262] : memref<1024x16xi32, #tpu.memory_space<vmem>> -> memref<128x16xi32, #tpu.memory_space<vmem>>
      %dma_wait3A_264 = arith.constant 0 : i32
      %dma_wait3A_265 = tpu.memref_slice %arg9[%dma_wait3A_260, %dma_wait3A_264] : memref<8x128xi32, #tpu.memory_space<vmem>> -> memref<1x128xi32, #tpu.memory_space<vmem>>
      %dma_wait3A_266 = tpu.memref_squeeze %dma_wait3A_265 : memref<1x128xi32, #tpu.memory_space<vmem>> -> memref<128xi32, #tpu.memory_space<vmem>>
      %dma_wait3A_267 = arith.constant 0 : i32
      %dma_wait3A_268 = arith.constant 0 : i32
      %dma_wait3A_269 = tpu.memref_slice %arg3[%dma_wait3A_267, %dma_wait3A_268] : memref<102400x16xi32, #tpu.memory_space<hbm>> -> memref<102400x16xi32, #tpu.memory_space<hbm>>
      tpu.wait_indirect_dma semaphore(%arg12 : memref<!tpu.dma_semaphore, #tpu.memory_space<semaphore_mem>>) src(%dma_wait3A_269 : memref<102400x16xi32, #tpu.memory_space<hbm>>) dst(%dma_wait3A_263 : memref<128x16xi32, #tpu.memory_space<vmem>>)
      %dma_wait3A_270 = arith.constant 5 : i32
      %dma_wait3A_271 = arith.constant 640 : i32
      %dma_wait3A_272 = arith.constant 0 : i32
      %dma_wait3A_273 = tpu.memref_slice %arg10[%dma_wait3A_271, %dma_wait3A_272] : memref<1024x16xi32, #tpu.memory_space<vmem>> -> memref<128x16xi32, #tpu.memory_space<vmem>>
      %dma_wait3A_274 = arith.constant 0 : i32
      %dma_wait3A_275 = tpu.memref_slice %arg8[%dma_wait3A_270, %dma_wait3A_274] : memref<8x128xi32, #tpu.memory_space<vmem>> -> memref<1x128xi32, #tpu.memory_space<vmem>>
      %dma_wait3A_276 = tpu.memref_squeeze %dma_wait3A_275 : memref<1x128xi32, #tpu.memory_space<vmem>> -> memref<128xi32, #tpu.memory_space<vmem>>
      %dma_wait3A_277 = arith.constant 0 : i32
      %dma_wait3A_278 = arith.constant 0 : i32
      %dma_wait3A_279 = tpu.memref_slice %arg2[%dma_wait3A_277, %dma_wait3A_278] : memref<102400x16xi32, #tpu.memory_space<hbm>> -> memref<102400x16xi32, #tpu.memory_space<hbm>>
      tpu.wait_indirect_dma semaphore(%arg12 : memref<!tpu.dma_semaphore, #tpu.memory_space<semaphore_mem>>) src(%dma_wait3A_279 : memref<102400x16xi32, #tpu.memory_space<hbm>>) dst(%dma_wait3A_273 : memref<128x16xi32, #tpu.memory_space<vmem>>)
      %dma_wait3A_280 = arith.constant 5 : i32
      %dma_wait3A_281 = arith.constant 640 : i32
      %dma_wait3A_282 = arith.constant 0 : i32
      %dma_wait3A_283 = tpu.memref_slice %arg11[%dma_wait3A_281, %dma_wait3A_282] : memref<1024x16xi32, #tpu.memory_space<vmem>> -> memref<128x16xi32, #tpu.memory_space<vmem>>
      %dma_wait3A_284 = arith.constant 0 : i32
      %dma_wait3A_285 = tpu.memref_slice %arg9[%dma_wait3A_280, %dma_wait3A_284] : memref<8x128xi32, #tpu.memory_space<vmem>> -> memref<1x128xi32, #tpu.memory_space<vmem>>
      %dma_wait3A_286 = tpu.memref_squeeze %dma_wait3A_285 : memref<1x128xi32, #tpu.memory_space<vmem>> -> memref<128xi32, #tpu.memory_space<vmem>>
      %dma_wait3A_287 = arith.constant 0 : i32
      %dma_wait3A_288 = arith.constant 0 : i32
      %dma_wait3A_289 = tpu.memref_slice %arg3[%dma_wait3A_287, %dma_wait3A_288] : memref<102400x16xi32, #tpu.memory_space<hbm>> -> memref<102400x16xi32, #tpu.memory_space<hbm>>
      tpu.wait_indirect_dma semaphore(%arg12 : memref<!tpu.dma_semaphore, #tpu.memory_space<semaphore_mem>>) src(%dma_wait3A_289 : memref<102400x16xi32, #tpu.memory_space<hbm>>) dst(%dma_wait3A_283 : memref<128x16xi32, #tpu.memory_space<vmem>>)
      %dma_wait3A_290 = arith.constant 6 : i32
      %dma_wait3A_291 = arith.constant 768 : i32
      %dma_wait3A_292 = arith.constant 0 : i32
      %dma_wait3A_293 = tpu.memref_slice %arg10[%dma_wait3A_291, %dma_wait3A_292] : memref<1024x16xi32, #tpu.memory_space<vmem>> -> memref<128x16xi32, #tpu.memory_space<vmem>>
      %dma_wait3A_294 = arith.constant 0 : i32
      %dma_wait3A_295 = tpu.memref_slice %arg8[%dma_wait3A_290, %dma_wait3A_294] : memref<8x128xi32, #tpu.memory_space<vmem>> -> memref<1x128xi32, #tpu.memory_space<vmem>>
      %dma_wait3A_296 = tpu.memref_squeeze %dma_wait3A_295 : memref<1x128xi32, #tpu.memory_space<vmem>> -> memref<128xi32, #tpu.memory_space<vmem>>
      %dma_wait3A_297 = arith.constant 0 : i32
      %dma_wait3A_298 = arith.constant 0 : i32
      %dma_wait3A_299 = tpu.memref_slice %arg2[%dma_wait3A_297, %dma_wait3A_298] : memref<102400x16xi32, #tpu.memory_space<hbm>> -> memref<102400x16xi32, #tpu.memory_space<hbm>>
      tpu.wait_indirect_dma semaphore(%arg12 : memref<!tpu.dma_semaphore, #tpu.memory_space<semaphore_mem>>) src(%dma_wait3A_299 : memref<102400x16xi32, #tpu.memory_space<hbm>>) dst(%dma_wait3A_293 : memref<128x16xi32, #tpu.memory_space<vmem>>)
      %dma_wait3A_300 = arith.constant 6 : i32
      %dma_wait3A_301 = arith.constant 768 : i32
      %dma_wait3A_302 = arith.constant 0 : i32
      %dma_wait3A_303 = tpu.memref_slice %arg11[%dma_wait3A_301, %dma_wait3A_302] : memref<1024x16xi32, #tpu.memory_space<vmem>> -> memref<128x16xi32, #tpu.memory_space<vmem>>
      %dma_wait3A_304 = arith.constant 0 : i32
      %dma_wait3A_305 = tpu.memref_slice %arg9[%dma_wait3A_300, %dma_wait3A_304] : memref<8x128xi32, #tpu.memory_space<vmem>> -> memref<1x128xi32, #tpu.memory_space<vmem>>
      %dma_wait3A_306 = tpu.memref_squeeze %dma_wait3A_305 : memref<1x128xi32, #tpu.memory_space<vmem>> -> memref<128xi32, #tpu.memory_space<vmem>>
      %dma_wait3A_307 = arith.constant 0 : i32
      %dma_wait3A_308 = arith.constant 0 : i32
      %dma_wait3A_309 = tpu.memref_slice %arg3[%dma_wait3A_307, %dma_wait3A_308] : memref<102400x16xi32, #tpu.memory_space<hbm>> -> memref<102400x16xi32, #tpu.memory_space<hbm>>
      tpu.wait_indirect_dma semaphore(%arg12 : memref<!tpu.dma_semaphore, #tpu.memory_space<semaphore_mem>>) src(%dma_wait3A_309 : memref<102400x16xi32, #tpu.memory_space<hbm>>) dst(%dma_wait3A_303 : memref<128x16xi32, #tpu.memory_space<vmem>>)
      %dma_wait3A_310 = arith.constant 7 : i32
      %dma_wait3A_311 = arith.constant 896 : i32
      %dma_wait3A_312 = arith.constant 0 : i32
      %dma_wait3A_313 = tpu.memref_slice %arg10[%dma_wait3A_311, %dma_wait3A_312] : memref<1024x16xi32, #tpu.memory_space<vmem>> -> memref<128x16xi32, #tpu.memory_space<vmem>>
      %dma_wait3A_314 = arith.constant 0 : i32
      %dma_wait3A_315 = tpu.memref_slice %arg8[%dma_wait3A_310, %dma_wait3A_314] : memref<8x128xi32, #tpu.memory_space<vmem>> -> memref<1x128xi32, #tpu.memory_space<vmem>>
      %dma_wait3A_316 = tpu.memref_squeeze %dma_wait3A_315 : memref<1x128xi32, #tpu.memory_space<vmem>> -> memref<128xi32, #tpu.memory_space<vmem>>
      %dma_wait3A_317 = arith.constant 0 : i32
      %dma_wait3A_318 = arith.constant 0 : i32
      %dma_wait3A_319 = tpu.memref_slice %arg2[%dma_wait3A_317, %dma_wait3A_318] : memref<102400x16xi32, #tpu.memory_space<hbm>> -> memref<102400x16xi32, #tpu.memory_space<hbm>>
      tpu.wait_indirect_dma semaphore(%arg12 : memref<!tpu.dma_semaphore, #tpu.memory_space<semaphore_mem>>) src(%dma_wait3A_319 : memref<102400x16xi32, #tpu.memory_space<hbm>>) dst(%dma_wait3A_313 : memref<128x16xi32, #tpu.memory_space<vmem>>)
      %dma_wait3A_320 = arith.constant 7 : i32
      %dma_wait3A_321 = arith.constant 896 : i32
      %dma_wait3A_322 = arith.constant 0 : i32
      %dma_wait3A_323 = tpu.memref_slice %arg11[%dma_wait3A_321, %dma_wait3A_322] : memref<1024x16xi32, #tpu.memory_space<vmem>> -> memref<128x16xi32, #tpu.memory_space<vmem>>
      %dma_wait3A_324 = arith.constant 0 : i32
      %dma_wait3A_325 = tpu.memref_slice %arg9[%dma_wait3A_320, %dma_wait3A_324] : memref<8x128xi32, #tpu.memory_space<vmem>> -> memref<1x128xi32, #tpu.memory_space<vmem>>
      %dma_wait3A_326 = tpu.memref_squeeze %dma_wait3A_325 : memref<1x128xi32, #tpu.memory_space<vmem>> -> memref<128xi32, #tpu.memory_space<vmem>>
      %dma_wait3A_327 = arith.constant 0 : i32
      %dma_wait3A_328 = arith.constant 0 : i32
      %dma_wait3A_329 = tpu.memref_slice %arg3[%dma_wait3A_327, %dma_wait3A_328] : memref<102400x16xi32, #tpu.memory_space<hbm>> -> memref<102400x16xi32, #tpu.memory_space<hbm>>
      tpu.wait_indirect_dma semaphore(%arg12 : memref<!tpu.dma_semaphore, #tpu.memory_space<semaphore_mem>>) src(%dma_wait3A_329 : memref<102400x16xi32, #tpu.memory_space<hbm>>) dst(%dma_wait3A_323 : memref<128x16xi32, #tpu.memory_space<vmem>>)
      %mul3A_330 = arith.constant 51200 : i32
      %mul3A_331 = arith.muli %add3A, %mul3A_330 : i32
      %mul3A_332 = arith.constant 1024 : i32
      %mul3A_333 = arith.muli %scan3A_6, %mul3A_332 : i32
      %add3A_334 = arith.addi %mul3A_331, %mul3A_333 : i32
      "tpu.region"() ({
        %run_scoped3A = tpu.sem_alloc : memref<!tpu.dma_semaphore, #tpu.memory_space<semaphore_mem>>
        %dma_start3A_335 = arith.constant 0 : i32
        %dma_start3A_336 = tpu.memref_slice %arg6[%add3A_334, %dma_start3A_335] : memref<1638400x16xi32, #tpu.memory_space<hbm>> -> memref<1024x16xi32, #tpu.memory_space<hbm>>
        %dma_start3A_337 = arith.constant 0 : i32
        %dma_start3A_338 = tpu.memref_slice %arg6[%add3A_334, %dma_start3A_337] : memref<1638400x16xi32, #tpu.memory_space<hbm>> -> memref<1024x16xi32, #tpu.memory_space<hbm>>
        tpu.enqueue_dma source(%arg10 : memref<1024x16xi32, #tpu.memory_space<vmem>>) target(%dma_start3A_338 : memref<1024x16xi32, #tpu.memory_space<hbm>>) target_semaphore(%run_scoped3A : memref<!tpu.dma_semaphore, #tpu.memory_space<semaphore_mem>>)
        %dma_wait3A_339 = arith.constant 0 : i32
        %dma_wait3A_340 = tpu.memref_slice %arg6[%add3A_334, %dma_wait3A_339] : memref<1638400x16xi32, #tpu.memory_space<hbm>> -> memref<1024x16xi32, #tpu.memory_space<hbm>>
        %dma_wait3A_341 = arith.constant 0 : i32
        %dma_wait3A_342 = tpu.memref_slice %arg6[%add3A_334, %dma_wait3A_341] : memref<1638400x16xi32, #tpu.memory_space<hbm>> -> memref<1024x16xi32, #tpu.memory_space<hbm>>
        tpu.wait_dma2 semaphore(%run_scoped3A : memref<!tpu.dma_semaphore, #tpu.memory_space<semaphore_mem>>) src(%arg10 : memref<1024x16xi32, #tpu.memory_space<vmem>>) dst(%dma_wait3A_342 : memref<1024x16xi32, #tpu.memory_space<hbm>>)
        tpu.yield
      }) : () -> ()
      "tpu.region"() ({
        %run_scoped3A = tpu.sem_alloc : memref<!tpu.dma_semaphore, #tpu.memory_space<semaphore_mem>>
        %dma_start3A_335 = arith.constant 0 : i32
        %dma_start3A_336 = tpu.memref_slice %arg7[%add3A_334, %dma_start3A_335] : memref<1638400x16xi32, #tpu.memory_space<hbm>> -> memref<1024x16xi32, #tpu.memory_space<hbm>>
        %dma_start3A_337 = arith.constant 0 : i32
        %dma_start3A_338 = tpu.memref_slice %arg7[%add3A_334, %dma_start3A_337] : memref<1638400x16xi32, #tpu.memory_space<hbm>> -> memref<1024x16xi32, #tpu.memory_space<hbm>>
        tpu.enqueue_dma source(%arg11 : memref<1024x16xi32, #tpu.memory_space<vmem>>) target(%dma_start3A_338 : memref<1024x16xi32, #tpu.memory_space<hbm>>) target_semaphore(%run_scoped3A : memref<!tpu.dma_semaphore, #tpu.memory_space<semaphore_mem>>)
        %dma_wait3A_339 = arith.constant 0 : i32
        %dma_wait3A_340 = tpu.memref_slice %arg7[%add3A_334, %dma_wait3A_339] : memref<1638400x16xi32, #tpu.memory_space<hbm>> -> memref<1024x16xi32, #tpu.memory_space<hbm>>
        %dma_wait3A_341 = arith.constant 0 : i32
        %dma_wait3A_342 = tpu.memref_slice %arg7[%add3A_334, %dma_wait3A_341] : memref<1638400x16xi32, #tpu.memory_space<hbm>> -> memref<1024x16xi32, #tpu.memory_space<hbm>>
        tpu.wait_dma2 semaphore(%run_scoped3A : memref<!tpu.dma_semaphore, #tpu.memory_space<semaphore_mem>>) src(%arg11 : memref<1024x16xi32, #tpu.memory_space<vmem>>) dst(%dma_wait3A_342 : memref<1024x16xi32, #tpu.memory_space<hbm>>)
        tpu.yield
      }) : () -> ()
    }
    %scan3A_5 = arith.constant 50 : i32
    return
  }
}

#map = affine_map<(d0, d1) -> (0, 0)>
#map1 = affine_map<(d0, d1) -> (0, 0, 0)>
module attributes {stable_mosaic.version = 14 : i64} {
  func.func @_segsum_body(%arg0: i32, %arg1: i32, %arg2: memref<1638400x16xf32, #tpu.memory_space<hbm>>, %arg3: memref<12800x128xi32, #tpu.memory_space<hbm>>, %arg4: memref<2x102400x16xf32, #tpu.memory_space<hbm>>, %arg5: memref<8x128xi32, #tpu.memory_space<vmem>>, %arg6: memref<1024x16xf32, #tpu.memory_space<vmem>>, %arg7: memref<102400x16xf32, #tpu.memory_space<vmem_shared>>, %arg8: memref<!tpu.dma_semaphore, #tpu.memory_space<semaphore_mem>>) attributes {dimension_semantics = [#tpu.dimension_semantics<core_parallel>, #tpu.dimension_semantics<subcore_parallel>], iteration_bounds = array<i64: 2, 16>, scalar_prefetch = 0 : i64, scratch_operands = 4 : i64, tpu.core_type = #tpu.core_type<sc_vector_subcore>, window_params = [{transform_indices = #map}, {transform_indices = #map}, {transform_indices = #map1}]} {
    %scan3A = arith.constant 0 : i32
    %scan3A_0 = arith.constant 0 : i32
    %scan3A_1 = arith.constant 1024 : i32
    %scan3A_2 = arith.addi %scan3A_0, %scan3A_1 : i32
    %scan3A_3 = arith.constant 1 : i32
    scf.for %scan3A_45 = %scan3A_0 to %scan3A_2 step %scan3A_3  : i32 {
      %broadcast_in_dim3A = arith.constant 0.000000e+00 : f32
      %broadcast_in_dim3A_46 = vector.broadcast %broadcast_in_dim3A : f32 to vector<16xf32>
      %swap3A = arith.index_cast %scan3A_45 : i32 to index
      %swap3A_47 = arith.constant 0 : index
      %swap3A_48 = tpu.vector_load %arg6[%swap3A, %swap3A_47] {strides = array<i32>} : memref<1024x16xf32, #tpu.memory_space<vmem>>, vector<1x16xf32>,
      %swap3A_49 = vector.shape_cast %swap3A_48 : vector<1x16xf32> to vector<16xf32>
      %swap3A_50 = vector.shape_cast %broadcast_in_dim3A_46 : vector<16xf32> to vector<1x16xf32>
      tpu.vector_store %arg6[%swap3A, %swap3A_47], %swap3A_50 {strides = array<i32>} : memref<1024x16xf32, #tpu.memory_space<vmem>>, vector<1x16xf32>,
    }
    %scan3A_4 = arith.constant 1024 : i32
    %mul3A = arith.constant 6400 : i32
    %mul3A_5 = arith.muli %arg1, %mul3A : i32
    %add3A = arith.constant 0 : i32
    %add3A_6 = arith.addi %mul3A_5, %add3A : i32
    "tpu.region"() ({
      %run_scoped3A = tpu.sem_alloc : memref<!tpu.dma_semaphore, #tpu.memory_space<semaphore_mem>>
      %dma_start3A = arith.constant 0 : i32
      %dma_start3A_45 = tpu.memref_slice %arg7[%add3A_6, %dma_start3A] : memref<102400x16xf32, #tpu.memory_space<vmem_shared>> -> memref<1024x16xf32, #tpu.memory_space<vmem_shared>>
      %dma_start3A_46 = arith.constant 0 : i32
      %dma_start3A_47 = tpu.memref_slice %arg7[%add3A_6, %dma_start3A_46] : memref<102400x16xf32, #tpu.memory_space<vmem_shared>> -> memref<1024x16xf32, #tpu.memory_space<vmem_shared>>
      tpu.enqueue_dma source(%arg6 : memref<1024x16xf32, #tpu.memory_space<vmem>>) target(%dma_start3A_47 : memref<1024x16xf32, #tpu.memory_space<vmem_shared>>) target_semaphore(%run_scoped3A : memref<!tpu.dma_semaphore, #tpu.memory_space<semaphore_mem>>)
      %dma_wait3A = arith.constant 0 : i32
      %dma_wait3A_48 = tpu.memref_slice %arg7[%add3A_6, %dma_wait3A] : memref<102400x16xf32, #tpu.memory_space<vmem_shared>> -> memref<1024x16xf32, #tpu.memory_space<vmem_shared>>
      %dma_wait3A_49 = arith.constant 0 : i32
      %dma_wait3A_50 = tpu.memref_slice %arg7[%add3A_6, %dma_wait3A_49] : memref<102400x16xf32, #tpu.memory_space<vmem_shared>> -> memref<1024x16xf32, #tpu.memory_space<vmem_shared>>
      tpu.wait_dma2 semaphore(%run_scoped3A : memref<!tpu.dma_semaphore, #tpu.memory_space<semaphore_mem>>) src(%arg6 : memref<1024x16xf32, #tpu.memory_space<vmem>>) dst(%dma_wait3A_50 : memref<1024x16xf32, #tpu.memory_space<vmem_shared>>)
      tpu.yield
    }) : () -> ()
    %mul3A_7 = arith.constant 6400 : i32
    %mul3A_8 = arith.muli %arg1, %mul3A_7 : i32
    %add3A_9 = arith.constant 1024 : i32
    %add3A_10 = arith.addi %mul3A_8, %add3A_9 : i32
    "tpu.region"() ({
      %run_scoped3A = tpu.sem_alloc : memref<!tpu.dma_semaphore, #tpu.memory_space<semaphore_mem>>
      %dma_start3A = arith.constant 0 : i32
      %dma_start3A_45 = tpu.memref_slice %arg7[%add3A_10, %dma_start3A] : memref<102400x16xf32, #tpu.memory_space<vmem_shared>> -> memref<1024x16xf32, #tpu.memory_space<vmem_shared>>
      %dma_start3A_46 = arith.constant 0 : i32
      %dma_start3A_47 = tpu.memref_slice %arg7[%add3A_10, %dma_start3A_46] : memref<102400x16xf32, #tpu.memory_space<vmem_shared>> -> memref<1024x16xf32, #tpu.memory_space<vmem_shared>>
      tpu.enqueue_dma source(%arg6 : memref<1024x16xf32, #tpu.memory_space<vmem>>) target(%dma_start3A_47 : memref<1024x16xf32, #tpu.memory_space<vmem_shared>>) target_semaphore(%run_scoped3A : memref<!tpu.dma_semaphore, #tpu.memory_space<semaphore_mem>>)
      %dma_wait3A = arith.constant 0 : i32
      %dma_wait3A_48 = tpu.memref_slice %arg7[%add3A_10, %dma_wait3A] : memref<102400x16xf32, #tpu.memory_space<vmem_shared>> -> memref<1024x16xf32, #tpu.memory_space<vmem_shared>>
      %dma_wait3A_49 = arith.constant 0 : i32
      %dma_wait3A_50 = tpu.memref_slice %arg7[%add3A_10, %dma_wait3A_49] : memref<102400x16xf32, #tpu.memory_space<vmem_shared>> -> memref<1024x16xf32, #tpu.memory_space<vmem_shared>>
      tpu.wait_dma2 semaphore(%run_scoped3A : memref<!tpu.dma_semaphore, #tpu.memory_space<semaphore_mem>>) src(%arg6 : memref<1024x16xf32, #tpu.memory_space<vmem>>) dst(%dma_wait3A_50 : memref<1024x16xf32, #tpu.memory_space<vmem_shared>>)
      tpu.yield
    }) : () -> ()
    %mul3A_11 = arith.constant 6400 : i32
    %mul3A_12 = arith.muli %arg1, %mul3A_11 : i32
    %add3A_13 = arith.constant 2048 : i32
    %add3A_14 = arith.addi %mul3A_12, %add3A_13 : i32
    "tpu.region"() ({
      %run_scoped3A = tpu.sem_alloc : memref<!tpu.dma_semaphore, #tpu.memory_space<semaphore_mem>>
      %dma_start3A = arith.constant 0 : i32
      %dma_start3A_45 = tpu.memref_slice %arg7[%add3A_14, %dma_start3A] : memref<102400x16xf32, #tpu.memory_space<vmem_shared>> -> memref<1024x16xf32, #tpu.memory_space<vmem_shared>>
      %dma_start3A_46 = arith.constant 0 : i32
      %dma_start3A_47 = tpu.memref_slice %arg7[%add3A_14, %dma_start3A_46] : memref<102400x16xf32, #tpu.memory_space<vmem_shared>> -> memref<1024x16xf32, #tpu.memory_space<vmem_shared>>
      tpu.enqueue_dma source(%arg6 : memref<1024x16xf32, #tpu.memory_space<vmem>>) target(%dma_start3A_47 : memref<1024x16xf32, #tpu.memory_space<vmem_shared>>) target_semaphore(%run_scoped3A : memref<!tpu.dma_semaphore, #tpu.memory_space<semaphore_mem>>)
      %dma_wait3A = arith.constant 0 : i32
      %dma_wait3A_48 = tpu.memref_slice %arg7[%add3A_14, %dma_wait3A] : memref<102400x16xf32, #tpu.memory_space<vmem_shared>> -> memref<1024x16xf32, #tpu.memory_space<vmem_shared>>
      %dma_wait3A_49 = arith.constant 0 : i32
      %dma_wait3A_50 = tpu.memref_slice %arg7[%add3A_14, %dma_wait3A_49] : memref<102400x16xf32, #tpu.memory_space<vmem_shared>> -> memref<1024x16xf32, #tpu.memory_space<vmem_shared>>
      tpu.wait_dma2 semaphore(%run_scoped3A : memref<!tpu.dma_semaphore, #tpu.memory_space<semaphore_mem>>) src(%arg6 : memref<1024x16xf32, #tpu.memory_space<vmem>>) dst(%dma_wait3A_50 : memref<1024x16xf32, #tpu.memory_space<vmem_shared>>)
      tpu.yield
    }) : () -> ()
    %mul3A_15 = arith.constant 6400 : i32
    %mul3A_16 = arith.muli %arg1, %mul3A_15 : i32
    %add3A_17 = arith.constant 3072 : i32
    %add3A_18 = arith.addi %mul3A_16, %add3A_17 : i32
    "tpu.region"() ({
      %run_scoped3A = tpu.sem_alloc : memref<!tpu.dma_semaphore, #tpu.memory_space<semaphore_mem>>
      %dma_start3A = arith.constant 0 : i32
      %dma_start3A_45 = tpu.memref_slice %arg7[%add3A_18, %dma_start3A] : memref<102400x16xf32, #tpu.memory_space<vmem_shared>> -> memref<1024x16xf32, #tpu.memory_space<vmem_shared>>
      %dma_start3A_46 = arith.constant 0 : i32
      %dma_start3A_47 = tpu.memref_slice %arg7[%add3A_18, %dma_start3A_46] : memref<102400x16xf32, #tpu.memory_space<vmem_shared>> -> memref<1024x16xf32, #tpu.memory_space<vmem_shared>>
      tpu.enqueue_dma source(%arg6 : memref<1024x16xf32, #tpu.memory_space<vmem>>) target(%dma_start3A_47 : memref<1024x16xf32, #tpu.memory_space<vmem_shared>>) target_semaphore(%run_scoped3A : memref<!tpu.dma_semaphore, #tpu.memory_space<semaphore_mem>>)
      %dma_wait3A = arith.constant 0 : i32
      %dma_wait3A_48 = tpu.memref_slice %arg7[%add3A_18, %dma_wait3A] : memref<102400x16xf32, #tpu.memory_space<vmem_shared>> -> memref<1024x16xf32, #tpu.memory_space<vmem_shared>>
      %dma_wait3A_49 = arith.constant 0 : i32
      %dma_wait3A_50 = tpu.memref_slice %arg7[%add3A_18, %dma_wait3A_49] : memref<102400x16xf32, #tpu.memory_space<vmem_shared>> -> memref<1024x16xf32, #tpu.memory_space<vmem_shared>>
      tpu.wait_dma2 semaphore(%run_scoped3A : memref<!tpu.dma_semaphore, #tpu.memory_space<semaphore_mem>>) src(%arg6 : memref<1024x16xf32, #tpu.memory_space<vmem>>) dst(%dma_wait3A_50 : memref<1024x16xf32, #tpu.memory_space<vmem_shared>>)
      tpu.yield
    }) : () -> ()
    %mul3A_19 = arith.constant 6400 : i32
    %mul3A_20 = arith.muli %arg1, %mul3A_19 : i32
    %add3A_21 = arith.constant 4096 : i32
    %add3A_22 = arith.addi %mul3A_20, %add3A_21 : i32
    "tpu.region"() ({
      %run_scoped3A = tpu.sem_alloc : memref<!tpu.dma_semaphore, #tpu.memory_space<semaphore_mem>>
      %dma_start3A = arith.constant 0 : i32
      %dma_start3A_45 = tpu.memref_slice %arg7[%add3A_22, %dma_start3A] : memref<102400x16xf32, #tpu.memory_space<vmem_shared>> -> memref<1024x16xf32, #tpu.memory_space<vmem_shared>>
      %dma_start3A_46 = arith.constant 0 : i32
      %dma_start3A_47 = tpu.memref_slice %arg7[%add3A_22, %dma_start3A_46] : memref<102400x16xf32, #tpu.memory_space<vmem_shared>> -> memref<1024x16xf32, #tpu.memory_space<vmem_shared>>
      tpu.enqueue_dma source(%arg6 : memref<1024x16xf32, #tpu.memory_space<vmem>>) target(%dma_start3A_47 : memref<1024x16xf32, #tpu.memory_space<vmem_shared>>) target_semaphore(%run_scoped3A : memref<!tpu.dma_semaphore, #tpu.memory_space<semaphore_mem>>)
      %dma_wait3A = arith.constant 0 : i32
      %dma_wait3A_48 = tpu.memref_slice %arg7[%add3A_22, %dma_wait3A] : memref<102400x16xf32, #tpu.memory_space<vmem_shared>> -> memref<1024x16xf32, #tpu.memory_space<vmem_shared>>
      %dma_wait3A_49 = arith.constant 0 : i32
      %dma_wait3A_50 = tpu.memref_slice %arg7[%add3A_22, %dma_wait3A_49] : memref<102400x16xf32, #tpu.memory_space<vmem_shared>> -> memref<1024x16xf32, #tpu.memory_space<vmem_shared>>
      tpu.wait_dma2 semaphore(%run_scoped3A : memref<!tpu.dma_semaphore, #tpu.memory_space<semaphore_mem>>) src(%arg6 : memref<1024x16xf32, #tpu.memory_space<vmem>>) dst(%dma_wait3A_50 : memref<1024x16xf32, #tpu.memory_space<vmem_shared>>)
      tpu.yield
    }) : () -> ()
    %mul3A_23 = arith.constant 6400 : i32
    %mul3A_24 = arith.muli %arg1, %mul3A_23 : i32
    %add3A_25 = arith.constant 5120 : i32
    %add3A_26 = arith.addi %mul3A_24, %add3A_25 : i32
    "tpu.region"() ({
      %run_scoped3A = tpu.sem_alloc : memref<!tpu.dma_semaphore, #tpu.memory_space<semaphore_mem>>
      %dma_start3A = arith.constant 0 : i32
      %dma_start3A_45 = tpu.memref_slice %arg7[%add3A_26, %dma_start3A] : memref<102400x16xf32, #tpu.memory_space<vmem_shared>> -> memref<1024x16xf32, #tpu.memory_space<vmem_shared>>
      %dma_start3A_46 = arith.constant 0 : i32
      %dma_start3A_47 = tpu.memref_slice %arg7[%add3A_26, %dma_start3A_46] : memref<102400x16xf32, #tpu.memory_space<vmem_shared>> -> memref<1024x16xf32, #tpu.memory_space<vmem_shared>>
      tpu.enqueue_dma source(%arg6 : memref<1024x16xf32, #tpu.memory_space<vmem>>) target(%dma_start3A_47 : memref<1024x16xf32, #tpu.memory_space<vmem_shared>>) target_semaphore(%run_scoped3A : memref<!tpu.dma_semaphore, #tpu.memory_space<semaphore_mem>>)
      %dma_wait3A = arith.constant 0 : i32
      %dma_wait3A_48 = tpu.memref_slice %arg7[%add3A_26, %dma_wait3A] : memref<102400x16xf32, #tpu.memory_space<vmem_shared>> -> memref<1024x16xf32, #tpu.memory_space<vmem_shared>>
      %dma_wait3A_49 = arith.constant 0 : i32
      %dma_wait3A_50 = tpu.memref_slice %arg7[%add3A_26, %dma_wait3A_49] : memref<102400x16xf32, #tpu.memory_space<vmem_shared>> -> memref<1024x16xf32, #tpu.memory_space<vmem_shared>>
      tpu.wait_dma2 semaphore(%run_scoped3A : memref<!tpu.dma_semaphore, #tpu.memory_space<semaphore_mem>>) src(%arg6 : memref<1024x16xf32, #tpu.memory_space<vmem>>) dst(%dma_wait3A_50 : memref<1024x16xf32, #tpu.memory_space<vmem_shared>>)
      tpu.yield
    }) : () -> ()
    %mul3A_27 = arith.constant 6400 : i32
    %mul3A_28 = arith.muli %arg1, %mul3A_27 : i32
    %add3A_29 = arith.constant 6144 : i32
    %add3A_30 = arith.addi %mul3A_28, %add3A_29 : i32
    "tpu.region"() ({
      %run_scoped3A = tpu.sem_alloc : memref<!tpu.dma_semaphore, #tpu.memory_space<semaphore_mem>>
      %dma_start3A = arith.constant 0 : i32
      %dma_start3A_45 = arith.constant 0 : i32
      %dma_start3A_46 = tpu.memref_slice %arg6[%dma_start3A, %dma_start3A_45] : memref<1024x16xf32, #tpu.memory_space<vmem>> -> memref<256x16xf32, #tpu.memory_space<vmem>>
      %dma_start3A_47 = arith.constant 0 : i32
      %dma_start3A_48 = tpu.memref_slice %arg7[%add3A_30, %dma_start3A_47] : memref<102400x16xf32, #tpu.memory_space<vmem_shared>> -> memref<256x16xf32, #tpu.memory_space<vmem_shared>>
      %dma_start3A_49 = arith.constant 0 : i32
      %dma_start3A_50 = tpu.memref_slice %arg7[%add3A_30, %dma_start3A_49] : memref<102400x16xf32, #tpu.memory_space<vmem_shared>> -> memref<256x16xf32, #tpu.memory_space<vmem_shared>>
      %dma_start3A_51 = arith.constant 0 : i32
      %dma_start3A_52 = arith.constant 0 : i32
      %dma_start3A_53 = tpu.memref_slice %arg6[%dma_start3A_51, %dma_start3A_52] : memref<1024x16xf32, #tpu.memory_space<vmem>> -> memref<256x16xf32, #tpu.memory_space<vmem>>
      tpu.enqueue_dma source(%dma_start3A_53 : memref<256x16xf32, #tpu.memory_space<vmem>>) target(%dma_start3A_50 : memref<256x16xf32, #tpu.memory_space<vmem_shared>>) target_semaphore(%run_scoped3A : memref<!tpu.dma_semaphore, #tpu.memory_space<semaphore_mem>>)
      %dma_wait3A = arith.constant 0 : i32
      %dma_wait3A_54 = arith.constant 0 : i32
      %dma_wait3A_55 = tpu.memref_slice %arg6[%dma_wait3A, %dma_wait3A_54] : memref<1024x16xf32, #tpu.memory_space<vmem>> -> memref<256x16xf32, #tpu.memory_space<vmem>>
      %dma_wait3A_56 = arith.constant 0 : i32
      %dma_wait3A_57 = tpu.memref_slice %arg7[%add3A_30, %dma_wait3A_56] : memref<102400x16xf32, #tpu.memory_space<vmem_shared>> -> memref<256x16xf32, #tpu.memory_space<vmem_shared>>
      %dma_wait3A_58 = arith.constant 0 : i32
      %dma_wait3A_59 = tpu.memref_slice %arg7[%add3A_30, %dma_wait3A_58] : memref<102400x16xf32, #tpu.memory_space<vmem_shared>> -> memref<256x16xf32, #tpu.memory_space<vmem_shared>>
      %dma_wait3A_60 = arith.constant 0 : i32
      %dma_wait3A_61 = arith.constant 0 : i32
      %dma_wait3A_62 = tpu.memref_slice %arg6[%dma_wait3A_60, %dma_wait3A_61] : memref<1024x16xf32, #tpu.memory_space<vmem>> -> memref<256x16xf32, #tpu.memory_space<vmem>>
      tpu.wait_dma2 semaphore(%run_scoped3A : memref<!tpu.dma_semaphore, #tpu.memory_space<semaphore_mem>>) src(%dma_wait3A_62 : memref<256x16xf32, #tpu.memory_space<vmem>>) dst(%dma_wait3A_59 : memref<256x16xf32, #tpu.memory_space<vmem_shared>>)
      tpu.yield
    }) : () -> ()
    %barrier3A = arith.constant 0 : index
    tpu.barrier barrier_id(%barrier3A)
    %mul3A_31 = arith.constant 16 : i32
    %mul3A_32 = arith.muli %arg0, %mul3A_31 : i32
    %add3A_33 = arith.addi %mul3A_32, %arg1 : i32
    %scan3A_34 = arith.constant 0 : i32
    %scan3A_35 = arith.constant 0 : i32
    %scan3A_36 = arith.constant 50 : i32
    %scan3A_37 = arith.addi %scan3A_35, %scan3A_36 : i32
    %scan3A_38 = arith.constant 1 : i32
    scf.for %scan3A_45 = %scan3A_35 to %scan3A_37 step %scan3A_38  : i32 {
      %mul3A_46 = arith.constant 400 : i32
      %mul3A_47 = arith.muli %add3A_33, %mul3A_46 : i32
      %mul3A_48 = arith.constant 8 : i32
      %mul3A_49 = arith.muli %scan3A_45, %mul3A_48 : i32
      %add3A_50 = arith.addi %mul3A_47, %mul3A_49 : i32
      "tpu.region"() ({
        %run_scoped3A_63 = tpu.sem_alloc : memref<!tpu.dma_semaphore, #tpu.memory_space<semaphore_mem>>
        %dma_start3A = arith.constant 0 : i32
        %dma_start3A_64 = tpu.memref_slice %arg3[%add3A_50, %dma_start3A] : memref<12800x128xi32, #tpu.memory_space<hbm>> -> memref<8x128xi32, #tpu.memory_space<hbm>>
        %dma_start3A_65 = arith.constant 0 : i32
        %dma_start3A_66 = tpu.memref_slice %arg3[%add3A_50, %dma_start3A_65] : memref<12800x128xi32, #tpu.memory_space<hbm>> -> memref<8x128xi32, #tpu.memory_space<hbm>>
        tpu.enqueue_dma source(%dma_start3A_66 : memref<8x128xi32, #tpu.memory_space<hbm>>) target(%arg5 : memref<8x128xi32, #tpu.memory_space<vmem>>) target_semaphore(%run_scoped3A_63 : memref<!tpu.dma_semaphore, #tpu.memory_space<semaphore_mem>>)
        %dma_wait3A = arith.constant 0 : i32
        %dma_wait3A_67 = tpu.memref_slice %arg3[%add3A_50, %dma_wait3A] : memref<12800x128xi32, #tpu.memory_space<hbm>> -> memref<8x128xi32, #tpu.memory_space<hbm>>
        %dma_wait3A_68 = arith.constant 0 : i32
        %dma_wait3A_69 = tpu.memref_slice %arg3[%add3A_50, %dma_wait3A_68] : memref<12800x128xi32, #tpu.memory_space<hbm>> -> memref<8x128xi32, #tpu.memory_space<hbm>>
        tpu.wait_dma2 semaphore(%run_scoped3A_63 : memref<!tpu.dma_semaphore, #tpu.memory_space<semaphore_mem>>) src(%dma_wait3A_69 : memref<8x128xi32, #tpu.memory_space<hbm>>) dst(%arg5 : memref<8x128xi32, #tpu.memory_space<vmem>>)
        tpu.yield
      }) : () -> ()
      %mul3A_51 = arith.constant 51200 : i32
      %mul3A_52 = arith.muli %add3A_33, %mul3A_51 : i32
      %mul3A_53 = arith.constant 1024 : i32
      %mul3A_54 = arith.muli %scan3A_45, %mul3A_53 : i32
      %add3A_55 = arith.addi %mul3A_52, %mul3A_54 : i32
      "tpu.region"() ({
        %run_scoped3A_63 = tpu.sem_alloc : memref<!tpu.dma_semaphore, #tpu.memory_space<semaphore_mem>>
        %dma_start3A = arith.constant 0 : i32
        %dma_start3A_64 = tpu.memref_slice %arg2[%add3A_55, %dma_start3A] : memref<1638400x16xf32, #tpu.memory_space<hbm>> -> memref<1024x16xf32, #tpu.memory_space<hbm>>
        %dma_start3A_65 = arith.constant 0 : i32
        %dma_start3A_66 = tpu.memref_slice %arg2[%add3A_55, %dma_start3A_65] : memref<1638400x16xf32, #tpu.memory_space<hbm>> -> memref<1024x16xf32, #tpu.memory_space<hbm>>
        tpu.enqueue_dma source(%dma_start3A_66 : memref<1024x16xf32, #tpu.memory_space<hbm>>) target(%arg6 : memref<1024x16xf32, #tpu.memory_space<vmem>>) target_semaphore(%run_scoped3A_63 : memref<!tpu.dma_semaphore, #tpu.memory_space<semaphore_mem>>)
        %dma_wait3A = arith.constant 0 : i32
        %dma_wait3A_67 = tpu.memref_slice %arg2[%add3A_55, %dma_wait3A] : memref<1638400x16xf32, #tpu.memory_space<hbm>> -> memref<1024x16xf32, #tpu.memory_space<hbm>>
        %dma_wait3A_68 = arith.constant 0 : i32
        %dma_wait3A_69 = tpu.memref_slice %arg2[%add3A_55, %dma_wait3A_68] : memref<1638400x16xf32, #tpu.memory_space<hbm>> -> memref<1024x16xf32, #tpu.memory_space<hbm>>
        tpu.wait_dma2 semaphore(%run_scoped3A_63 : memref<!tpu.dma_semaphore, #tpu.memory_space<semaphore_mem>>) src(%dma_wait3A_69 : memref<1024x16xf32, #tpu.memory_space<hbm>>) dst(%arg6 : memref<1024x16xf32, #tpu.memory_space<vmem>>)
        tpu.yield
      }) : () -> ()
      %run_scoped3A = arith.constant 0 : i32
      "tpu.region"() ({
        %run_scoped3A_63 = tpu.sem_alloc : memref<!tpu.dma_semaphore, #tpu.memory_space<semaphore_mem>>
        %dma_start3A = arith.constant 0 : i32
        %dma_start3A_64 = arith.constant 0 : i32
        %dma_start3A_65 = tpu.memref_slice %arg6[%dma_start3A, %dma_start3A_64] : memref<1024x16xf32, #tpu.memory_space<vmem>> -> memref<128x16xf32, #tpu.memory_space<vmem>>
        %dma_start3A_66 = arith.constant 0 : i32
        %dma_start3A_67 = tpu.memref_slice %arg5[%run_scoped3A, %dma_start3A_66] : memref<8x128xi32, #tpu.memory_space<vmem>> -> memref<1x128xi32, #tpu.memory_space<vmem>>
        %dma_start3A_68 = tpu.memref_squeeze %dma_start3A_67 : memref<1x128xi32, #tpu.memory_space<vmem>> -> memref<128xi32, #tpu.memory_space<vmem>>
        %dma_start3A_69 = arith.constant 0 : i32
        %dma_start3A_70 = arith.constant 0 : i32
        %dma_start3A_71 = tpu.memref_slice %arg7[%dma_start3A_69, %dma_start3A_70] : memref<102400x16xf32, #tpu.memory_space<vmem_shared>> -> memref<102400x16xf32, #tpu.memory_space<vmem_shared>>
        tpu.enqueue_indirect_dma source(%dma_start3A_65 : memref<128x16xf32, #tpu.memory_space<vmem>>) target(%dma_start3A_71 : memref<102400x16xf32, #tpu.memory_space<vmem_shared>>) offsets(%dma_start3A_68 : memref<128xi32, #tpu.memory_space<vmem>>) semaphore(%run_scoped3A_63 : memref<!tpu.dma_semaphore, #tpu.memory_space<semaphore_mem>>) {add = true}
        %dma_wait3A = arith.constant 0 : i32
        %dma_wait3A_72 = arith.constant 0 : i32
        %dma_wait3A_73 = tpu.memref_slice %arg6[%dma_wait3A, %dma_wait3A_72] : memref<1024x16xf32, #tpu.memory_space<vmem>> -> memref<128x16xf32, #tpu.memory_space<vmem>>
        %dma_wait3A_74 = arith.constant 0 : i32
        %dma_wait3A_75 = tpu.memref_slice %arg5[%run_scoped3A, %dma_wait3A_74] : memref<8x128xi32, #tpu.memory_space<vmem>> -> memref<1x128xi32, #tpu.memory_space<vmem>>
        %dma_wait3A_76 = tpu.memref_squeeze %dma_wait3A_75 : memref<1x128xi32, #tpu.memory_space<vmem>> -> memref<128xi32, #tpu.memory_space<vmem>>
        %dma_wait3A_77 = arith.constant 0 : i32
        %dma_wait3A_78 = arith.constant 0 : i32
        %dma_wait3A_79 = tpu.memref_slice %arg7[%dma_wait3A_77, %dma_wait3A_78] : memref<102400x16xf32, #tpu.memory_space<vmem_shared>> -> memref<102400x16xf32, #tpu.memory_space<vmem_shared>>
        tpu.wait_indirect_dma semaphore(%run_scoped3A_63 : memref<!tpu.dma_semaphore, #tpu.memory_space<semaphore_mem>>) src(%dma_wait3A_73 : memref<128x16xf32, #tpu.memory_space<vmem>>) dst(%dma_wait3A_79 : memref<102400x16xf32, #tpu.memory_space<vmem_shared>>)
        tpu.yield
      }) : () -> ()
      %run_scoped3A_56 = arith.constant 1 : i32
      "tpu.region"() ({
        %run_scoped3A_63 = tpu.sem_alloc : memref<!tpu.dma_semaphore, #tpu.memory_space<semaphore_mem>>
        %dma_start3A = arith.constant 128 : i32
        %dma_start3A_64 = arith.constant 0 : i32
        %dma_start3A_65 = tpu.memref_slice %arg6[%dma_start3A, %dma_start3A_64] : memref<1024x16xf32, #tpu.memory_space<vmem>> -> memref<128x16xf32, #tpu.memory_space<vmem>>
        %dma_start3A_66 = arith.constant 0 : i32
        %dma_start3A_67 = tpu.memref_slice %arg5[%run_scoped3A_56, %dma_start3A_66] : memref<8x128xi32, #tpu.memory_space<vmem>> -> memref<1x128xi32, #tpu.memory_space<vmem>>
        %dma_start3A_68 = tpu.memref_squeeze %dma_start3A_67 : memref<1x128xi32, #tpu.memory_space<vmem>> -> memref<128xi32, #tpu.memory_space<vmem>>
        %dma_start3A_69 = arith.constant 0 : i32
        %dma_start3A_70 = arith.constant 0 : i32
        %dma_start3A_71 = tpu.memref_slice %arg7[%dma_start3A_69, %dma_start3A_70] : memref<102400x16xf32, #tpu.memory_space<vmem_shared>> -> memref<102400x16xf32, #tpu.memory_space<vmem_shared>>
        tpu.enqueue_indirect_dma source(%dma_start3A_65 : memref<128x16xf32, #tpu.memory_space<vmem>>) target(%dma_start3A_71 : memref<102400x16xf32, #tpu.memory_space<vmem_shared>>) offsets(%dma_start3A_68 : memref<128xi32, #tpu.memory_space<vmem>>) semaphore(%run_scoped3A_63 : memref<!tpu.dma_semaphore, #tpu.memory_space<semaphore_mem>>) {add = true}
        %dma_wait3A = arith.constant 128 : i32
        %dma_wait3A_72 = arith.constant 0 : i32
        %dma_wait3A_73 = tpu.memref_slice %arg6[%dma_wait3A, %dma_wait3A_72] : memref<1024x16xf32, #tpu.memory_space<vmem>> -> memref<128x16xf32, #tpu.memory_space<vmem>>
        %dma_wait3A_74 = arith.constant 0 : i32
        %dma_wait3A_75 = tpu.memref_slice %arg5[%run_scoped3A_56, %dma_wait3A_74] : memref<8x128xi32, #tpu.memory_space<vmem>> -> memref<1x128xi32, #tpu.memory_space<vmem>>
        %dma_wait3A_76 = tpu.memref_squeeze %dma_wait3A_75 : memref<1x128xi32, #tpu.memory_space<vmem>> -> memref<128xi32, #tpu.memory_space<vmem>>
        %dma_wait3A_77 = arith.constant 0 : i32
        %dma_wait3A_78 = arith.constant 0 : i32
        %dma_wait3A_79 = tpu.memref_slice %arg7[%dma_wait3A_77, %dma_wait3A_78] : memref<102400x16xf32, #tpu.memory_space<vmem_shared>> -> memref<102400x16xf32, #tpu.memory_space<vmem_shared>>
        tpu.wait_indirect_dma semaphore(%run_scoped3A_63 : memref<!tpu.dma_semaphore, #tpu.memory_space<semaphore_mem>>) src(%dma_wait3A_73 : memref<128x16xf32, #tpu.memory_space<vmem>>) dst(%dma_wait3A_79 : memref<102400x16xf32, #tpu.memory_space<vmem_shared>>)
        tpu.yield
      }) : () -> ()
      %run_scoped3A_57 = arith.constant 2 : i32
      "tpu.region"() ({
        %run_scoped3A_63 = tpu.sem_alloc : memref<!tpu.dma_semaphore, #tpu.memory_space<semaphore_mem>>
        %dma_start3A = arith.constant 256 : i32
        %dma_start3A_64 = arith.constant 0 : i32
        %dma_start3A_65 = tpu.memref_slice %arg6[%dma_start3A, %dma_start3A_64] : memref<1024x16xf32, #tpu.memory_space<vmem>> -> memref<128x16xf32, #tpu.memory_space<vmem>>
        %dma_start3A_66 = arith.constant 0 : i32
        %dma_start3A_67 = tpu.memref_slice %arg5[%run_scoped3A_57, %dma_start3A_66] : memref<8x128xi32, #tpu.memory_space<vmem>> -> memref<1x128xi32, #tpu.memory_space<vmem>>
        %dma_start3A_68 = tpu.memref_squeeze %dma_start3A_67 : memref<1x128xi32, #tpu.memory_space<vmem>> -> memref<128xi32, #tpu.memory_space<vmem>>
        %dma_start3A_69 = arith.constant 0 : i32
        %dma_start3A_70 = arith.constant 0 : i32
        %dma_start3A_71 = tpu.memref_slice %arg7[%dma_start3A_69, %dma_start3A_70] : memref<102400x16xf32, #tpu.memory_space<vmem_shared>> -> memref<102400x16xf32, #tpu.memory_space<vmem_shared>>
        tpu.enqueue_indirect_dma source(%dma_start3A_65 : memref<128x16xf32, #tpu.memory_space<vmem>>) target(%dma_start3A_71 : memref<102400x16xf32, #tpu.memory_space<vmem_shared>>) offsets(%dma_start3A_68 : memref<128xi32, #tpu.memory_space<vmem>>) semaphore(%run_scoped3A_63 : memref<!tpu.dma_semaphore, #tpu.memory_space<semaphore_mem>>) {add = true}
        %dma_wait3A = arith.constant 256 : i32
        %dma_wait3A_72 = arith.constant 0 : i32
        %dma_wait3A_73 = tpu.memref_slice %arg6[%dma_wait3A, %dma_wait3A_72] : memref<1024x16xf32, #tpu.memory_space<vmem>> -> memref<128x16xf32, #tpu.memory_space<vmem>>
        %dma_wait3A_74 = arith.constant 0 : i32
        %dma_wait3A_75 = tpu.memref_slice %arg5[%run_scoped3A_57, %dma_wait3A_74] : memref<8x128xi32, #tpu.memory_space<vmem>> -> memref<1x128xi32, #tpu.memory_space<vmem>>
        %dma_wait3A_76 = tpu.memref_squeeze %dma_wait3A_75 : memref<1x128xi32, #tpu.memory_space<vmem>> -> memref<128xi32, #tpu.memory_space<vmem>>
        %dma_wait3A_77 = arith.constant 0 : i32
        %dma_wait3A_78 = arith.constant 0 : i32
        %dma_wait3A_79 = tpu.memref_slice %arg7[%dma_wait3A_77, %dma_wait3A_78] : memref<102400x16xf32, #tpu.memory_space<vmem_shared>> -> memref<102400x16xf32, #tpu.memory_space<vmem_shared>>
        tpu.wait_indirect_dma semaphore(%run_scoped3A_63 : memref<!tpu.dma_semaphore, #tpu.memory_space<semaphore_mem>>) src(%dma_wait3A_73 : memref<128x16xf32, #tpu.memory_space<vmem>>) dst(%dma_wait3A_79 : memref<102400x16xf32, #tpu.memory_space<vmem_shared>>)
        tpu.yield
      }) : () -> ()
      %run_scoped3A_58 = arith.constant 3 : i32
      "tpu.region"() ({
        %run_scoped3A_63 = tpu.sem_alloc : memref<!tpu.dma_semaphore, #tpu.memory_space<semaphore_mem>>
        %dma_start3A = arith.constant 384 : i32
        %dma_start3A_64 = arith.constant 0 : i32
        %dma_start3A_65 = tpu.memref_slice %arg6[%dma_start3A, %dma_start3A_64] : memref<1024x16xf32, #tpu.memory_space<vmem>> -> memref<128x16xf32, #tpu.memory_space<vmem>>
        %dma_start3A_66 = arith.constant 0 : i32
        %dma_start3A_67 = tpu.memref_slice %arg5[%run_scoped3A_58, %dma_start3A_66] : memref<8x128xi32, #tpu.memory_space<vmem>> -> memref<1x128xi32, #tpu.memory_space<vmem>>
        %dma_start3A_68 = tpu.memref_squeeze %dma_start3A_67 : memref<1x128xi32, #tpu.memory_space<vmem>> -> memref<128xi32, #tpu.memory_space<vmem>>
        %dma_start3A_69 = arith.constant 0 : i32
        %dma_start3A_70 = arith.constant 0 : i32
        %dma_start3A_71 = tpu.memref_slice %arg7[%dma_start3A_69, %dma_start3A_70] : memref<102400x16xf32, #tpu.memory_space<vmem_shared>> -> memref<102400x16xf32, #tpu.memory_space<vmem_shared>>
        tpu.enqueue_indirect_dma source(%dma_start3A_65 : memref<128x16xf32, #tpu.memory_space<vmem>>) target(%dma_start3A_71 : memref<102400x16xf32, #tpu.memory_space<vmem_shared>>) offsets(%dma_start3A_68 : memref<128xi32, #tpu.memory_space<vmem>>) semaphore(%run_scoped3A_63 : memref<!tpu.dma_semaphore, #tpu.memory_space<semaphore_mem>>) {add = true}
        %dma_wait3A = arith.constant 384 : i32
        %dma_wait3A_72 = arith.constant 0 : i32
        %dma_wait3A_73 = tpu.memref_slice %arg6[%dma_wait3A, %dma_wait3A_72] : memref<1024x16xf32, #tpu.memory_space<vmem>> -> memref<128x16xf32, #tpu.memory_space<vmem>>
        %dma_wait3A_74 = arith.constant 0 : i32
        %dma_wait3A_75 = tpu.memref_slice %arg5[%run_scoped3A_58, %dma_wait3A_74] : memref<8x128xi32, #tpu.memory_space<vmem>> -> memref<1x128xi32, #tpu.memory_space<vmem>>
        %dma_wait3A_76 = tpu.memref_squeeze %dma_wait3A_75 : memref<1x128xi32, #tpu.memory_space<vmem>> -> memref<128xi32, #tpu.memory_space<vmem>>
        %dma_wait3A_77 = arith.constant 0 : i32
        %dma_wait3A_78 = arith.constant 0 : i32
        %dma_wait3A_79 = tpu.memref_slice %arg7[%dma_wait3A_77, %dma_wait3A_78] : memref<102400x16xf32, #tpu.memory_space<vmem_shared>> -> memref<102400x16xf32, #tpu.memory_space<vmem_shared>>
        tpu.wait_indirect_dma semaphore(%run_scoped3A_63 : memref<!tpu.dma_semaphore, #tpu.memory_space<semaphore_mem>>) src(%dma_wait3A_73 : memref<128x16xf32, #tpu.memory_space<vmem>>) dst(%dma_wait3A_79 : memref<102400x16xf32, #tpu.memory_space<vmem_shared>>)
        tpu.yield
      }) : () -> ()
      %run_scoped3A_59 = arith.constant 4 : i32
      "tpu.region"() ({
        %run_scoped3A_63 = tpu.sem_alloc : memref<!tpu.dma_semaphore, #tpu.memory_space<semaphore_mem>>
        %dma_start3A = arith.constant 512 : i32
        %dma_start3A_64 = arith.constant 0 : i32
        %dma_start3A_65 = tpu.memref_slice %arg6[%dma_start3A, %dma_start3A_64] : memref<1024x16xf32, #tpu.memory_space<vmem>> -> memref<128x16xf32, #tpu.memory_space<vmem>>
        %dma_start3A_66 = arith.constant 0 : i32
        %dma_start3A_67 = tpu.memref_slice %arg5[%run_scoped3A_59, %dma_start3A_66] : memref<8x128xi32, #tpu.memory_space<vmem>> -> memref<1x128xi32, #tpu.memory_space<vmem>>
        %dma_start3A_68 = tpu.memref_squeeze %dma_start3A_67 : memref<1x128xi32, #tpu.memory_space<vmem>> -> memref<128xi32, #tpu.memory_space<vmem>>
        %dma_start3A_69 = arith.constant 0 : i32
        %dma_start3A_70 = arith.constant 0 : i32
        %dma_start3A_71 = tpu.memref_slice %arg7[%dma_start3A_69, %dma_start3A_70] : memref<102400x16xf32, #tpu.memory_space<vmem_shared>> -> memref<102400x16xf32, #tpu.memory_space<vmem_shared>>
        tpu.enqueue_indirect_dma source(%dma_start3A_65 : memref<128x16xf32, #tpu.memory_space<vmem>>) target(%dma_start3A_71 : memref<102400x16xf32, #tpu.memory_space<vmem_shared>>) offsets(%dma_start3A_68 : memref<128xi32, #tpu.memory_space<vmem>>) semaphore(%run_scoped3A_63 : memref<!tpu.dma_semaphore, #tpu.memory_space<semaphore_mem>>) {add = true}
        %dma_wait3A = arith.constant 512 : i32
        %dma_wait3A_72 = arith.constant 0 : i32
        %dma_wait3A_73 = tpu.memref_slice %arg6[%dma_wait3A, %dma_wait3A_72] : memref<1024x16xf32, #tpu.memory_space<vmem>> -> memref<128x16xf32, #tpu.memory_space<vmem>>
        %dma_wait3A_74 = arith.constant 0 : i32
        %dma_wait3A_75 = tpu.memref_slice %arg5[%run_scoped3A_59, %dma_wait3A_74] : memref<8x128xi32, #tpu.memory_space<vmem>> -> memref<1x128xi32, #tpu.memory_space<vmem>>
        %dma_wait3A_76 = tpu.memref_squeeze %dma_wait3A_75 : memref<1x128xi32, #tpu.memory_space<vmem>> -> memref<128xi32, #tpu.memory_space<vmem>>
        %dma_wait3A_77 = arith.constant 0 : i32
        %dma_wait3A_78 = arith.constant 0 : i32
        %dma_wait3A_79 = tpu.memref_slice %arg7[%dma_wait3A_77, %dma_wait3A_78] : memref<102400x16xf32, #tpu.memory_space<vmem_shared>> -> memref<102400x16xf32, #tpu.memory_space<vmem_shared>>
        tpu.wait_indirect_dma semaphore(%run_scoped3A_63 : memref<!tpu.dma_semaphore, #tpu.memory_space<semaphore_mem>>) src(%dma_wait3A_73 : memref<128x16xf32, #tpu.memory_space<vmem>>) dst(%dma_wait3A_79 : memref<102400x16xf32, #tpu.memory_space<vmem_shared>>)
        tpu.yield
      }) : () -> ()
      %run_scoped3A_60 = arith.constant 5 : i32
      "tpu.region"() ({
        %run_scoped3A_63 = tpu.sem_alloc : memref<!tpu.dma_semaphore, #tpu.memory_space<semaphore_mem>>
        %dma_start3A = arith.constant 640 : i32
        %dma_start3A_64 = arith.constant 0 : i32
        %dma_start3A_65 = tpu.memref_slice %arg6[%dma_start3A, %dma_start3A_64] : memref<1024x16xf32, #tpu.memory_space<vmem>> -> memref<128x16xf32, #tpu.memory_space<vmem>>
        %dma_start3A_66 = arith.constant 0 : i32
        %dma_start3A_67 = tpu.memref_slice %arg5[%run_scoped3A_60, %dma_start3A_66] : memref<8x128xi32, #tpu.memory_space<vmem>> -> memref<1x128xi32, #tpu.memory_space<vmem>>
        %dma_start3A_68 = tpu.memref_squeeze %dma_start3A_67 : memref<1x128xi32, #tpu.memory_space<vmem>> -> memref<128xi32, #tpu.memory_space<vmem>>
        %dma_start3A_69 = arith.constant 0 : i32
        %dma_start3A_70 = arith.constant 0 : i32
        %dma_start3A_71 = tpu.memref_slice %arg7[%dma_start3A_69, %dma_start3A_70] : memref<102400x16xf32, #tpu.memory_space<vmem_shared>> -> memref<102400x16xf32, #tpu.memory_space<vmem_shared>>
        tpu.enqueue_indirect_dma source(%dma_start3A_65 : memref<128x16xf32, #tpu.memory_space<vmem>>) target(%dma_start3A_71 : memref<102400x16xf32, #tpu.memory_space<vmem_shared>>) offsets(%dma_start3A_68 : memref<128xi32, #tpu.memory_space<vmem>>) semaphore(%run_scoped3A_63 : memref<!tpu.dma_semaphore, #tpu.memory_space<semaphore_mem>>) {add = true}
        %dma_wait3A = arith.constant 640 : i32
        %dma_wait3A_72 = arith.constant 0 : i32
        %dma_wait3A_73 = tpu.memref_slice %arg6[%dma_wait3A, %dma_wait3A_72] : memref<1024x16xf32, #tpu.memory_space<vmem>> -> memref<128x16xf32, #tpu.memory_space<vmem>>
        %dma_wait3A_74 = arith.constant 0 : i32
        %dma_wait3A_75 = tpu.memref_slice %arg5[%run_scoped3A_60, %dma_wait3A_74] : memref<8x128xi32, #tpu.memory_space<vmem>> -> memref<1x128xi32, #tpu.memory_space<vmem>>
        %dma_wait3A_76 = tpu.memref_squeeze %dma_wait3A_75 : memref<1x128xi32, #tpu.memory_space<vmem>> -> memref<128xi32, #tpu.memory_space<vmem>>
        %dma_wait3A_77 = arith.constant 0 : i32
        %dma_wait3A_78 = arith.constant 0 : i32
        %dma_wait3A_79 = tpu.memref_slice %arg7[%dma_wait3A_77, %dma_wait3A_78] : memref<102400x16xf32, #tpu.memory_space<vmem_shared>> -> memref<102400x16xf32, #tpu.memory_space<vmem_shared>>
        tpu.wait_indirect_dma semaphore(%run_scoped3A_63 : memref<!tpu.dma_semaphore, #tpu.memory_space<semaphore_mem>>) src(%dma_wait3A_73 : memref<128x16xf32, #tpu.memory_space<vmem>>) dst(%dma_wait3A_79 : memref<102400x16xf32, #tpu.memory_space<vmem_shared>>)
        tpu.yield
      }) : () -> ()
      %run_scoped3A_61 = arith.constant 6 : i32
      "tpu.region"() ({
        %run_scoped3A_63 = tpu.sem_alloc : memref<!tpu.dma_semaphore, #tpu.memory_space<semaphore_mem>>
        %dma_start3A = arith.constant 768 : i32
        %dma_start3A_64 = arith.constant 0 : i32
        %dma_start3A_65 = tpu.memref_slice %arg6[%dma_start3A, %dma_start3A_64] : memref<1024x16xf32, #tpu.memory_space<vmem>> -> memref<128x16xf32, #tpu.memory_space<vmem>>
        %dma_start3A_66 = arith.constant 0 : i32
        %dma_start3A_67 = tpu.memref_slice %arg5[%run_scoped3A_61, %dma_start3A_66] : memref<8x128xi32, #tpu.memory_space<vmem>> -> memref<1x128xi32, #tpu.memory_space<vmem>>
        %dma_start3A_68 = tpu.memref_squeeze %dma_start3A_67 : memref<1x128xi32, #tpu.memory_space<vmem>> -> memref<128xi32, #tpu.memory_space<vmem>>
        %dma_start3A_69 = arith.constant 0 : i32
        %dma_start3A_70 = arith.constant 0 : i32
        %dma_start3A_71 = tpu.memref_slice %arg7[%dma_start3A_69, %dma_start3A_70] : memref<102400x16xf32, #tpu.memory_space<vmem_shared>> -> memref<102400x16xf32, #tpu.memory_space<vmem_shared>>
        tpu.enqueue_indirect_dma source(%dma_start3A_65 : memref<128x16xf32, #tpu.memory_space<vmem>>) target(%dma_start3A_71 : memref<102400x16xf32, #tpu.memory_space<vmem_shared>>) offsets(%dma_start3A_68 : memref<128xi32, #tpu.memory_space<vmem>>) semaphore(%run_scoped3A_63 : memref<!tpu.dma_semaphore, #tpu.memory_space<semaphore_mem>>) {add = true}
        %dma_wait3A = arith.constant 768 : i32
        %dma_wait3A_72 = arith.constant 0 : i32
        %dma_wait3A_73 = tpu.memref_slice %arg6[%dma_wait3A, %dma_wait3A_72] : memref<1024x16xf32, #tpu.memory_space<vmem>> -> memref<128x16xf32, #tpu.memory_space<vmem>>
        %dma_wait3A_74 = arith.constant 0 : i32
        %dma_wait3A_75 = tpu.memref_slice %arg5[%run_scoped3A_61, %dma_wait3A_74] : memref<8x128xi32, #tpu.memory_space<vmem>> -> memref<1x128xi32, #tpu.memory_space<vmem>>
        %dma_wait3A_76 = tpu.memref_squeeze %dma_wait3A_75 : memref<1x128xi32, #tpu.memory_space<vmem>> -> memref<128xi32, #tpu.memory_space<vmem>>
        %dma_wait3A_77 = arith.constant 0 : i32
        %dma_wait3A_78 = arith.constant 0 : i32
        %dma_wait3A_79 = tpu.memref_slice %arg7[%dma_wait3A_77, %dma_wait3A_78] : memref<102400x16xf32, #tpu.memory_space<vmem_shared>> -> memref<102400x16xf32, #tpu.memory_space<vmem_shared>>
        tpu.wait_indirect_dma semaphore(%run_scoped3A_63 : memref<!tpu.dma_semaphore, #tpu.memory_space<semaphore_mem>>) src(%dma_wait3A_73 : memref<128x16xf32, #tpu.memory_space<vmem>>) dst(%dma_wait3A_79 : memref<102400x16xf32, #tpu.memory_space<vmem_shared>>)
        tpu.yield
      }) : () -> ()
      %run_scoped3A_62 = arith.constant 7 : i32
      "tpu.region"() ({
        %run_scoped3A_63 = tpu.sem_alloc : memref<!tpu.dma_semaphore, #tpu.memory_space<semaphore_mem>>
        %dma_start3A = arith.constant 896 : i32
        %dma_start3A_64 = arith.constant 0 : i32
        %dma_start3A_65 = tpu.memref_slice %arg6[%dma_start3A, %dma_start3A_64] : memref<1024x16xf32, #tpu.memory_space<vmem>> -> memref<128x16xf32, #tpu.memory_space<vmem>>
        %dma_start3A_66 = arith.constant 0 : i32
        %dma_start3A_67 = tpu.memref_slice %arg5[%run_scoped3A_62, %dma_start3A_66] : memref<8x128xi32, #tpu.memory_space<vmem>> -> memref<1x128xi32, #tpu.memory_space<vmem>>
        %dma_start3A_68 = tpu.memref_squeeze %dma_start3A_67 : memref<1x128xi32, #tpu.memory_space<vmem>> -> memref<128xi32, #tpu.memory_space<vmem>>
        %dma_start3A_69 = arith.constant 0 : i32
        %dma_start3A_70 = arith.constant 0 : i32
        %dma_start3A_71 = tpu.memref_slice %arg7[%dma_start3A_69, %dma_start3A_70] : memref<102400x16xf32, #tpu.memory_space<vmem_shared>> -> memref<102400x16xf32, #tpu.memory_space<vmem_shared>>
        tpu.enqueue_indirect_dma source(%dma_start3A_65 : memref<128x16xf32, #tpu.memory_space<vmem>>) target(%dma_start3A_71 : memref<102400x16xf32, #tpu.memory_space<vmem_shared>>) offsets(%dma_start3A_68 : memref<128xi32, #tpu.memory_space<vmem>>) semaphore(%run_scoped3A_63 : memref<!tpu.dma_semaphore, #tpu.memory_space<semaphore_mem>>) {add = true}
        %dma_wait3A = arith.constant 896 : i32
        %dma_wait3A_72 = arith.constant 0 : i32
        %dma_wait3A_73 = tpu.memref_slice %arg6[%dma_wait3A, %dma_wait3A_72] : memref<1024x16xf32, #tpu.memory_space<vmem>> -> memref<128x16xf32, #tpu.memory_space<vmem>>
        %dma_wait3A_74 = arith.constant 0 : i32
        %dma_wait3A_75 = tpu.memref_slice %arg5[%run_scoped3A_62, %dma_wait3A_74] : memref<8x128xi32, #tpu.memory_space<vmem>> -> memref<1x128xi32, #tpu.memory_space<vmem>>
        %dma_wait3A_76 = tpu.memref_squeeze %dma_wait3A_75 : memref<1x128xi32, #tpu.memory_space<vmem>> -> memref<128xi32, #tpu.memory_space<vmem>>
        %dma_wait3A_77 = arith.constant 0 : i32
        %dma_wait3A_78 = arith.constant 0 : i32
        %dma_wait3A_79 = tpu.memref_slice %arg7[%dma_wait3A_77, %dma_wait3A_78] : memref<102400x16xf32, #tpu.memory_space<vmem_shared>> -> memref<102400x16xf32, #tpu.memory_space<vmem_shared>>
        tpu.wait_indirect_dma semaphore(%run_scoped3A_63 : memref<!tpu.dma_semaphore, #tpu.memory_space<semaphore_mem>>) src(%dma_wait3A_73 : memref<128x16xf32, #tpu.memory_space<vmem>>) dst(%dma_wait3A_79 : memref<102400x16xf32, #tpu.memory_space<vmem_shared>>)
        tpu.yield
      }) : () -> ()
    }
    %scan3A_39 = arith.constant 50 : i32
    %barrier3A_40 = arith.constant 0 : index
    tpu.barrier barrier_id(%barrier3A_40)
    %mul3A_41 = arith.constant 6400 : i32
    %mul3A_42 = arith.muli %arg1, %mul3A_41 : i32
    %mul3A_43 = arith.constant 6400 : i32
    %mul3A_44 = arith.muli %arg1, %mul3A_43 : i32
    "tpu.region"() ({
      %run_scoped3A = tpu.sem_alloc : memref<!tpu.dma_semaphore, #tpu.memory_space<semaphore_mem>>
      %dma_start3A = arith.constant 0 : i32
      %dma_start3A_45 = arith.constant 0 : i32
      %dma_start3A_46 = tpu.memref_slice %arg4[%arg0, %dma_start3A, %dma_start3A_45] : memref<2x102400x16xf32, #tpu.memory_space<hbm>> -> memref<1x102400x16xf32, #tpu.memory_space<hbm>>
      %dma_start3A_47 = tpu.memref_squeeze %dma_start3A_46 : memref<1x102400x16xf32, #tpu.memory_space<hbm>> -> memref<102400x16xf32, #tpu.memory_space<hbm>>
      %dma_start3A_48 = arith.constant 0 : i32
      %dma_start3A_49 = tpu.memref_slice %dma_start3A_47[%mul3A_44, %dma_start3A_48] : memref<102400x16xf32, #tpu.memory_space<hbm>> -> memref<6400x16xf32, #tpu.memory_space<hbm>>
      %dma_start3A_50 = arith.constant 0 : i32
      %dma_start3A_51 = tpu.memref_slice %arg7[%mul3A_42, %dma_start3A_50] : memref<102400x16xf32, #tpu.memory_space<vmem_shared>> -> memref<6400x16xf32, #tpu.memory_space<vmem_shared>>
      tpu.enqueue_dma source(%dma_start3A_51 : memref<6400x16xf32, #tpu.memory_space<vmem_shared>>) target(%dma_start3A_49 : memref<6400x16xf32, #tpu.memory_space<hbm>>) target_semaphore(%run_scoped3A : memref<!tpu.dma_semaphore, #tpu.memory_space<semaphore_mem>>)
      %dma_wait3A = arith.constant 0 : i32
      %dma_wait3A_52 = arith.constant 0 : i32
      %dma_wait3A_53 = tpu.memref_slice %arg4[%arg0, %dma_wait3A, %dma_wait3A_52] : memref<2x102400x16xf32, #tpu.memory_space<hbm>> -> memref<1x102400x16xf32, #tpu.memory_space<hbm>>
      %dma_wait3A_54 = tpu.memref_squeeze %dma_wait3A_53 : memref<1x102400x16xf32, #tpu.memory_space<hbm>> -> memref<102400x16xf32, #tpu.memory_space<hbm>>
      %dma_wait3A_55 = arith.constant 0 : i32
      %dma_wait3A_56 = tpu.memref_slice %dma_wait3A_54[%mul3A_44, %dma_wait3A_55] : memref<102400x16xf32, #tpu.memory_space<hbm>> -> memref<6400x16xf32, #tpu.memory_space<hbm>>
      %dma_wait3A_57 = arith.constant 0 : i32
      %dma_wait3A_58 = tpu.memref_slice %arg7[%mul3A_42, %dma_wait3A_57] : memref<102400x16xf32, #tpu.memory_space<vmem_shared>> -> memref<6400x16xf32, #tpu.memory_space<vmem_shared>>
      tpu.wait_dma2 semaphore(%run_scoped3A : memref<!tpu.dma_semaphore, #tpu.memory_space<semaphore_mem>>) src(%dma_wait3A_58 : memref<6400x16xf32, #tpu.memory_space<vmem_shared>>) dst(%dma_wait3A_56 : memref<6400x16xf32, #tpu.memory_space<hbm>>)
      tpu.yield
    }) : () -> ()
    return
  }
}

module attributes {stable_mosaic.version = 14 : i64} {
  func.func @_percell_body(%arg0: i32, %arg1: memref<256x128xf32, #tpu.memory_space<vmem>>, %arg2: memref<128x256xf32, #tpu.memory_space<vmem>>, %arg3: memref<1x256xf32, #tpu.memory_space<vmem>>, %arg4: memref<256x256xf32, #tpu.memory_space<vmem>>, %arg5: memref<1x256xf32, #tpu.memory_space<vmem>>, %arg6: memref<256x128xf32, #tpu.memory_space<vmem>>, %arg7: memref<1x128xf32, #tpu.memory_space<vmem>>, %arg8: memref<128x256xf32, #tpu.memory_space<vmem>>, %arg9: memref<1x256xf32, #tpu.memory_space<vmem>>, %arg10: memref<256x256xf32, #tpu.memory_space<vmem>>, %arg11: memref<1x256xf32, #tpu.memory_space<vmem>>, %arg12: memref<256x128xf32, #tpu.memory_space<vmem>>, %arg13: memref<1x128xf32, #tpu.memory_space<vmem>>, %arg14: memref<256x128xi32, #tpu.memory_space<vmem>>, %arg15: memref<256x128xi32, #tpu.memory_space<vmem>>) attributes {dimension_semantics = [#tpu.dimension_semantics<arbitrary>], iteration_bounds = array<i64: 50>, scalar_prefetch = 0 : i64, scratch_operands = 0 : i64, tpu.core_type = #tpu.core_type<tc>, window_params = [{transform_indices = @transform_0, window_bounds = array<i64: 256, 128>}, {pipeline_mode = #tpu.pipeline_mode<synchronous>, transform_indices = @transform_1, window_bounds = array<i64: 128, 256>}, {pipeline_mode = #tpu.pipeline_mode<synchronous>, transform_indices = @transform_2, window_bounds = array<i64: 1, 256>}, {pipeline_mode = #tpu.pipeline_mode<synchronous>, transform_indices = @transform_3, window_bounds = array<i64: 256, 256>}, {pipeline_mode = #tpu.pipeline_mode<synchronous>, transform_indices = @transform_4, window_bounds = array<i64: 1, 256>}, {pipeline_mode = #tpu.pipeline_mode<synchronous>, transform_indices = @transform_5, window_bounds = array<i64: 256, 128>}, {pipeline_mode = #tpu.pipeline_mode<synchronous>, transform_indices = @transform_6, window_bounds = array<i64: 1, 128>}, {pipeline_mode = #tpu.pipeline_mode<synchronous>, transform_indices = @transform_7, window_bounds = array<i64: 128, 256>}, {pipeline_mode = #tpu.pipeline_mode<synchronous>, transform_indices = @transform_8, window_bounds = array<i64: 1, 256>}, {pipeline_mode = #tpu.pipeline_mode<synchronous>, transform_indices = @transform_9, window_bounds = array<i64: 256, 256>}, {pipeline_mode = #tpu.pipeline_mode<synchronous>, transform_indices = @transform_10, window_bounds = array<i64: 1, 256>}, {pipeline_mode = #tpu.pipeline_mode<synchronous>, transform_indices = @transform_11, window_bounds = array<i64: 256, 128>}, {pipeline_mode = #tpu.pipeline_mode<synchronous>, transform_indices = @transform_12, window_bounds = array<i64: 1, 128>}, {transform_indices = @transform_13, window_bounds = array<i64: 256, 128>}, {transform_indices = @transform_14, window_bounds = array<i64: 256, 128>}]} {
    %get3A = arith.constant 0 : index
    %get3A_0 = arith.constant 0 : index
    %get3A_1 = vector.load %arg1[%get3A, %get3A_0] : memref<256x128xf32, #tpu.memory_space<vmem>>, vector<256x128xf32>
    %get3A_2 = arith.constant 0 : index
    %get3A_3 = arith.constant 0 : index
    %get3A_4 = vector.load %arg2[%get3A_2, %get3A_3] : memref<128x256xf32, #tpu.memory_space<vmem>>, vector<128x256xf32>
    %dot_general3A = arith.constant dense<0.000000e+00> : vector<256x256xf32>
    %dot_general3A_5 = tpu.matmul %get3A_1, %get3A_4, %dot_general3A {dimension_numbers = #tpu.dot_dimension_numbers<[1], [0], [0], [1], [0, 0, 1, 1], [], []>, transpose_lhs_hint = false} : vector<256x128xf32>, vector<128x256xf32>, vector<256x256xf32> -> vector<256x256xf32>
    %get3A_6 = arith.constant 0 : index
    %get3A_7 = arith.constant 0 : index
    %get3A_8 = vector.load %arg3[%get3A_6, %get3A_7] : memref<1x256xf32, #tpu.memory_space<vmem>>, vector<1x256xf32>
    %add3A = vector.broadcast %get3A_8 : vector<1x256xf32> to vector<256x256xf32>
    %add3A_9 = arith.addf %dot_general3A_5, %add3A : vector<256x256xf32>
    %max3A = arith.constant 0.000000e+00 : f32
    %max3A_10 = vector.broadcast %max3A : f32 to vector<256x256xf32>
    %max3A_11 = arith.maximumf %add3A_9, %max3A_10 : vector<256x256xf32>
    %get3A_12 = arith.constant 0 : index
    %get3A_13 = arith.constant 0 : index
    %get3A_14 = vector.load %arg4[%get3A_12, %get3A_13] : memref<256x256xf32, #tpu.memory_space<vmem>>, vector<256x256xf32>
    %dot_general3A_15 = arith.constant dense<0.000000e+00> : vector<256x256xf32>
    %dot_general3A_16 = tpu.matmul %max3A_11, %get3A_14, %dot_general3A_15 {dimension_numbers = #tpu.dot_dimension_numbers<[1], [0], [0], [1], [0, 0, 1, 1], [], []>, transpose_lhs_hint = false} : vector<256x256xf32>, vector<256x256xf32>, vector<256x256xf32> -> vector<256x256xf32>
    %get3A_17 = arith.constant 0 : index
    %get3A_18 = arith.constant 0 : index
    %get3A_19 = vector.load %arg5[%get3A_17, %get3A_18] : memref<1x256xf32, #tpu.memory_space<vmem>>, vector<1x256xf32>
    %add3A_20 = vector.broadcast %get3A_19 : vector<1x256xf32> to vector<256x256xf32>
    %add3A_21 = arith.addf %dot_general3A_16, %add3A_20 : vector<256x256xf32>
    %max3A_22 = arith.constant 0.000000e+00 : f32
    %max3A_23 = vector.broadcast %max3A_22 : f32 to vector<256x256xf32>
    %max3A_24 = arith.maximumf %add3A_21, %max3A_23 : vector<256x256xf32>
    %get3A_25 = arith.constant 0 : index
    %get3A_26 = arith.constant 0 : index
    %get3A_27 = vector.load %arg6[%get3A_25, %get3A_26] : memref<256x128xf32, #tpu.memory_space<vmem>>, vector<256x128xf32>
    %dot_general3A_28 = arith.constant dense<0.000000e+00> : vector<256x128xf32>
    %dot_general3A_29 = tpu.matmul %max3A_24, %get3A_27, %dot_general3A_28 {dimension_numbers = #tpu.dot_dimension_numbers<[1], [0], [0], [1], [0, 0, 1, 1], [], []>, transpose_lhs_hint = false} : vector<256x256xf32>, vector<256x128xf32>, vector<256x128xf32> -> vector<256x128xf32>
    %get3A_30 = arith.constant 0 : index
    %get3A_31 = arith.constant 0 : index
    %get3A_32 = vector.load %arg7[%get3A_30, %get3A_31] : memref<1x128xf32, #tpu.memory_space<vmem>>, vector<1x128xf32>
    %add3A_33 = vector.broadcast %get3A_32 : vector<1x128xf32> to vector<256x128xf32>
    %add3A_34 = arith.addf %dot_general3A_29, %add3A_33 : vector<256x128xf32>
    %convert_element_type3A = arith.truncf %get3A_1 : vector<256x128xf32> to vector<256x128xbf16>
    %bitcast_convert_type3A = tpu.bitcast %convert_element_type3A : vector<256x128xbf16> -> vector<256x128xi16>
    %convert_element_type3A_35 = arith.truncf %add3A_34 : vector<256x128xf32> to vector<256x128xbf16>
    %bitcast_convert_type3A_36 = tpu.bitcast %convert_element_type3A_35 : vector<256x128xbf16> -> vector<256x128xi16>
    %convert_element_type3A_37 = arith.extui %bitcast_convert_type3A : vector<256x128xi16> to vector<256x128xi32>
    %shift_left3A = arith.constant 16 : i32
    %shift_left3A_38 = vector.broadcast %shift_left3A : i32 to vector<256x128xi32>
    %shift_left3A_39 = arith.shli %convert_element_type3A_37, %shift_left3A_38 : vector<256x128xi32>
    %convert_element_type3A_40 = arith.extui %bitcast_convert_type3A_36 : vector<256x128xi16> to vector<256x128xi32>
    %or3A = arith.ori %shift_left3A_39, %convert_element_type3A_40 : vector<256x128xi32>
    %bitcast_convert_type3A_41 = tpu.bitcast %or3A : vector<256x128xi32> -> vector<256x128xi32>
    %swap3A = arith.constant 0 : index
    %swap3A_42 = arith.constant 0 : index
    %swap3A_43 = vector.load %arg14[%swap3A, %swap3A_42] : memref<256x128xi32, #tpu.memory_space<vmem>>, vector<256x128xi32>
    tpu.vector_store %arg14[%swap3A, %swap3A_42], %bitcast_convert_type3A_41 {strides = array<i32>} : memref<256x128xi32, #tpu.memory_space<vmem>>, vector<256x128xi32>,
    %get3A_44 = arith.constant 0 : index
    %get3A_45 = arith.constant 0 : index
    %get3A_46 = vector.load %arg8[%get3A_44, %get3A_45] : memref<128x256xf32, #tpu.memory_space<vmem>>, vector<128x256xf32>
    %dot_general3A_47 = arith.constant dense<0.000000e+00> : vector<256x256xf32>
    %dot_general3A_48 = tpu.matmul %get3A_1, %get3A_46, %dot_general3A_47 {dimension_numbers = #tpu.dot_dimension_numbers<[1], [0], [0], [1], [0, 0, 1, 1], [], []>, transpose_lhs_hint = false} : vector<256x128xf32>, vector<128x256xf32>, vector<256x256xf32> -> vector<256x256xf32>
    %get3A_49 = arith.constant 0 : index
    %get3A_50 = arith.constant 0 : index
    %get3A_51 = vector.load %arg9[%get3A_49, %get3A_50] : memref<1x256xf32, #tpu.memory_space<vmem>>, vector<1x256xf32>
    %add3A_52 = vector.broadcast %get3A_51 : vector<1x256xf32> to vector<256x256xf32>
    %add3A_53 = arith.addf %dot_general3A_48, %add3A_52 : vector<256x256xf32>
    %max3A_54 = arith.constant 0.000000e+00 : f32
    %max3A_55 = vector.broadcast %max3A_54 : f32 to vector<256x256xf32>
    %max3A_56 = arith.maximumf %add3A_53, %max3A_55 : vector<256x256xf32>
    %get3A_57 = arith.constant 0 : index
    %get3A_58 = arith.constant 0 : index
    %get3A_59 = vector.load %arg10[%get3A_57, %get3A_58] : memref<256x256xf32, #tpu.memory_space<vmem>>, vector<256x256xf32>
    %dot_general3A_60 = arith.constant dense<0.000000e+00> : vector<256x256xf32>
    %dot_general3A_61 = tpu.matmul %max3A_56, %get3A_59, %dot_general3A_60 {dimension_numbers = #tpu.dot_dimension_numbers<[1], [0], [0], [1], [0, 0, 1, 1], [], []>, transpose_lhs_hint = false} : vector<256x256xf32>, vector<256x256xf32>, vector<256x256xf32> -> vector<256x256xf32>
    %get3A_62 = arith.constant 0 : index
    %get3A_63 = arith.constant 0 : index
    %get3A_64 = vector.load %arg11[%get3A_62, %get3A_63] : memref<1x256xf32, #tpu.memory_space<vmem>>, vector<1x256xf32>
    %add3A_65 = vector.broadcast %get3A_64 : vector<1x256xf32> to vector<256x256xf32>
    %add3A_66 = arith.addf %dot_general3A_61, %add3A_65 : vector<256x256xf32>
    %max3A_67 = arith.constant 0.000000e+00 : f32
    %max3A_68 = vector.broadcast %max3A_67 : f32 to vector<256x256xf32>
    %max3A_69 = arith.maximumf %add3A_66, %max3A_68 : vector<256x256xf32>
    %get3A_70 = arith.constant 0 : index
    %get3A_71 = arith.constant 0 : index
    %get3A_72 = vector.load %arg12[%get3A_70, %get3A_71] : memref<256x128xf32, #tpu.memory_space<vmem>>, vector<256x128xf32>
    %dot_general3A_73 = arith.constant dense<0.000000e+00> : vector<256x128xf32>
    %dot_general3A_74 = tpu.matmul %max3A_69, %get3A_72, %dot_general3A_73 {dimension_numbers = #tpu.dot_dimension_numbers<[1], [0], [0], [1], [0, 0, 1, 1], [], []>, transpose_lhs_hint = false} : vector<256x256xf32>, vector<256x128xf32>, vector<256x128xf32> -> vector<256x128xf32>
    %get3A_75 = arith.constant 0 : index
    %get3A_76 = arith.constant 0 : index
    %get3A_77 = vector.load %arg13[%get3A_75, %get3A_76] : memref<1x128xf32, #tpu.memory_space<vmem>>, vector<1x128xf32>
    %add3A_78 = vector.broadcast %get3A_77 : vector<1x128xf32> to vector<256x128xf32>
    %add3A_79 = arith.addf %dot_general3A_74, %add3A_78 : vector<256x128xf32>
    %convert_element_type3A_80 = arith.truncf %get3A_1 : vector<256x128xf32> to vector<256x128xbf16>
    %bitcast_convert_type3A_81 = tpu.bitcast %convert_element_type3A_80 : vector<256x128xbf16> -> vector<256x128xi16>
    %convert_element_type3A_82 = arith.truncf %add3A_79 : vector<256x128xf32> to vector<256x128xbf16>
    %bitcast_convert_type3A_83 = tpu.bitcast %convert_element_type3A_82 : vector<256x128xbf16> -> vector<256x128xi16>
    %convert_element_type3A_84 = arith.extui %bitcast_convert_type3A_81 : vector<256x128xi16> to vector<256x128xi32>
    %shift_left3A_85 = arith.constant 16 : i32
    %shift_left3A_86 = vector.broadcast %shift_left3A_85 : i32 to vector<256x128xi32>
    %shift_left3A_87 = arith.shli %convert_element_type3A_84, %shift_left3A_86 : vector<256x128xi32>
    %convert_element_type3A_88 = arith.extui %bitcast_convert_type3A_83 : vector<256x128xi16> to vector<256x128xi32>
    %or3A_89 = arith.ori %shift_left3A_87, %convert_element_type3A_88 : vector<256x128xi32>
    %bitcast_convert_type3A_90 = tpu.bitcast %or3A_89 : vector<256x128xi32> -> vector<256x128xi32>
    %swap3A_91 = arith.constant 0 : index
    %swap3A_92 = arith.constant 0 : index
    %swap3A_93 = vector.load %arg15[%swap3A_91, %swap3A_92] : memref<256x128xi32, #tpu.memory_space<vmem>>, vector<256x128xi32>
    tpu.vector_store %arg15[%swap3A_91, %swap3A_92], %bitcast_convert_type3A_90 {strides = array<i32>} : memref<256x128xi32, #tpu.memory_space<vmem>>, vector<256x128xi32>,
    return
  }
  func.func @transform_0(%arg0: i32) -> (i32, i32) {
    %c0_i32 = arith.constant 0 : i32
    %c0_i32_0 = arith.constant 0 : i32
    return %arg0, %c0_i32 : i32, i32
  }
  func.func @transform_1(%arg0: i32) -> (i32, i32) {
    %c0_i32 = arith.constant 0 : i32
    %c0_i32_0 = arith.constant 0 : i32
    %c0_i32_1 = arith.constant 0 : i32
    return %c0_i32, %c0_i32_0 : i32, i32
  }
  func.func @transform_2(%arg0: i32) -> (i32, i32) {
    %c0_i32 = arith.constant 0 : i32
    %c0_i32_0 = arith.constant 0 : i32
    %c0_i32_1 = arith.constant 0 : i32
    return %c0_i32, %c0_i32_0 : i32, i32
  }
  func.func @transform_3(%arg0: i32) -> (i32, i32) {
    %c0_i32 = arith.constant 0 : i32
    %c0_i32_0 = arith.constant 0 : i32
    %c0_i32_1 = arith.constant 0 : i32
    return %c0_i32, %c0_i32_0 : i32, i32
  }
  func.func @transform_4(%arg0: i32) -> (i32, i32) {
    %c0_i32 = arith.constant 0 : i32
    %c0_i32_0 = arith.constant 0 : i32
    %c0_i32_1 = arith.constant 0 : i32
    return %c0_i32, %c0_i32_0 : i32, i32
  }
  func.func @transform_5(%arg0: i32) -> (i32, i32) {
    %c0_i32 = arith.constant 0 : i32
    %c0_i32_0 = arith.constant 0 : i32
    %c0_i32_1 = arith.constant 0 : i32
    return %c0_i32, %c0_i32_0 : i32, i32
  }
  func.func @transform_6(%arg0: i32) -> (i32, i32) {
    %c0_i32 = arith.constant 0 : i32
    %c0_i32_0 = arith.constant 0 : i32
    %c0_i32_1 = arith.constant 0 : i32
    return %c0_i32, %c0_i32_0 : i32, i32
  }
  func.func @transform_7(%arg0: i32) -> (i32, i32) {
    %c0_i32 = arith.constant 0 : i32
    %c0_i32_0 = arith.constant 0 : i32
    %c0_i32_1 = arith.constant 0 : i32
    return %c0_i32, %c0_i32_0 : i32, i32
  }
  func.func @transform_8(%arg0: i32) -> (i32, i32) {
    %c0_i32 = arith.constant 0 : i32
    %c0_i32_0 = arith.constant 0 : i32
    %c0_i32_1 = arith.constant 0 : i32
    return %c0_i32, %c0_i32_0 : i32, i32
  }
  func.func @transform_9(%arg0: i32) -> (i32, i32) {
    %c0_i32 = arith.constant 0 : i32
    %c0_i32_0 = arith.constant 0 : i32
    %c0_i32_1 = arith.constant 0 : i32
    return %c0_i32, %c0_i32_0 : i32, i32
  }
  func.func @transform_10(%arg0: i32) -> (i32, i32) {
    %c0_i32 = arith.constant 0 : i32
    %c0_i32_0 = arith.constant 0 : i32
    %c0_i32_1 = arith.constant 0 : i32
    return %c0_i32, %c0_i32_0 : i32, i32
  }
  func.func @transform_11(%arg0: i32) -> (i32, i32) {
    %c0_i32 = arith.constant 0 : i32
    %c0_i32_0 = arith.constant 0 : i32
    %c0_i32_1 = arith.constant 0 : i32
    return %c0_i32, %c0_i32_0 : i32, i32
  }
  func.func @transform_12(%arg0: i32) -> (i32, i32) {
    %c0_i32 = arith.constant 0 : i32
    %c0_i32_0 = arith.constant 0 : i32
    %c0_i32_1 = arith.constant 0 : i32
    return %c0_i32, %c0_i32_0 : i32, i32
  }
  func.func @transform_13(%arg0: i32) -> (i32, i32) {
    %c0_i32 = arith.constant 0 : i32
    %c0_i32_0 = arith.constant 0 : i32
    return %arg0, %c0_i32 : i32, i32
  }
  func.func @transform_14(%arg0: i32) -> (i32, i32) {
    %c0_i32 = arith.constant 0 : i32
    %c0_i32_0 = arith.constant 0 : i32
    return %arg0, %c0_i32 : i32, i32
  }
}

module attributes {stable_mosaic.version = 14 : i64} {
  func.func @_effect_body(%arg0: i32, %arg1: memref<1024x128xi32, #tpu.memory_space<vmem>>, %arg2: memref<1024x128xi32, #tpu.memory_space<vmem>>, %arg3: memref<128x256xf32, #tpu.memory_space<vmem>>, %arg4: memref<128x256xf32, #tpu.memory_space<vmem>>, %arg5: memref<128x256xf32, #tpu.memory_space<vmem>>, %arg6: memref<1x256xf32, #tpu.memory_space<vmem>>, %arg7: memref<256x256xf32, #tpu.memory_space<vmem>>, %arg8: memref<1x256xf32, #tpu.memory_space<vmem>>, %arg9: memref<256x128xf32, #tpu.memory_space<vmem>>, %arg10: memref<1x128xf32, #tpu.memory_space<vmem>>, %arg11: memref<1024x128xf32, #tpu.memory_space<vmem>>) attributes {dimension_semantics = [#tpu.dimension_semantics<arbitrary>], iteration_bounds = array<i64: 200>, scalar_prefetch = 0 : i64, scratch_operands = 0 : i64, tpu.core_type = #tpu.core_type<tc>, window_params = [{transform_indices = @transform_0, window_bounds = array<i64: 1024, 128>}, {transform_indices = @transform_1, window_bounds = array<i64: 1024, 128>}, {pipeline_mode = #tpu.pipeline_mode<synchronous>, transform_indices = @transform_2, window_bounds = array<i64: 128, 256>}, {pipeline_mode = #tpu.pipeline_mode<synchronous>, transform_indices = @transform_3, window_bounds = array<i64: 128, 256>}, {pipeline_mode = #tpu.pipeline_mode<synchronous>, transform_indices = @transform_4, window_bounds = array<i64: 128, 256>}, {pipeline_mode = #tpu.pipeline_mode<synchronous>, transform_indices = @transform_5, window_bounds = array<i64: 1, 256>}, {pipeline_mode = #tpu.pipeline_mode<synchronous>, transform_indices = @transform_6, window_bounds = array<i64: 256, 256>}, {pipeline_mode = #tpu.pipeline_mode<synchronous>, transform_indices = @transform_7, window_bounds = array<i64: 1, 256>}, {pipeline_mode = #tpu.pipeline_mode<synchronous>, transform_indices = @transform_8, window_bounds = array<i64: 256, 128>}, {pipeline_mode = #tpu.pipeline_mode<synchronous>, transform_indices = @transform_9, window_bounds = array<i64: 1, 128>}, {transform_indices = @transform_10, window_bounds = array<i64: 1024, 128>}]} {
    %get3A = arith.constant 0 : index
    %get3A_0 = arith.constant 0 : index
    %get3A_1 = vector.load %arg1[%get3A, %get3A_0] : memref<1024x128xi32, #tpu.memory_space<vmem>>, vector<1024x128xi32>
    %get3A_2 = arith.constant 0 : index
    %get3A_3 = arith.constant 0 : index
    %get3A_4 = vector.load %arg2[%get3A_2, %get3A_3] : memref<1024x128xi32, #tpu.memory_space<vmem>>, vector<1024x128xi32>
    %bitcast_convert_type3A = tpu.bitcast %get3A_1 : vector<1024x128xi32> -> vector<1024x128xi32>
    %and3A = arith.constant -65536 : i32
    %and3A_5 = vector.broadcast %and3A : i32 to vector<1024x128xi32>
    %and3A_6 = arith.andi %bitcast_convert_type3A, %and3A_5 : vector<1024x128xi32>
    %bitcast_convert_type3A_7 = tpu.bitcast %and3A_6 : vector<1024x128xi32> -> vector<1024x128xf32>
    %get3A_8 = arith.constant 0 : index
    %get3A_9 = arith.constant 0 : index
    %get3A_10 = vector.load %arg3[%get3A_8, %get3A_9] : memref<128x256xf32, #tpu.memory_space<vmem>>, vector<128x256xf32>
    %dot_general3A = arith.constant dense<0.000000e+00> : vector<1024x256xf32>
    %dot_general3A_11 = tpu.matmul %bitcast_convert_type3A_7, %get3A_10, %dot_general3A {dimension_numbers = #tpu.dot_dimension_numbers<[1], [0], [0], [1], [0, 0, 1, 1], [], []>, transpose_lhs_hint = false} : vector<1024x128xf32>, vector<128x256xf32>, vector<1024x256xf32> -> vector<1024x256xf32>
    %bitcast_convert_type3A_12 = tpu.bitcast %get3A_4 : vector<1024x128xi32> -> vector<1024x128xi32>
    %and3A_13 = arith.constant -65536 : i32
    %and3A_14 = vector.broadcast %and3A_13 : i32 to vector<1024x128xi32>
    %and3A_15 = arith.andi %bitcast_convert_type3A_12, %and3A_14 : vector<1024x128xi32>
    %bitcast_convert_type3A_16 = tpu.bitcast %and3A_15 : vector<1024x128xi32> -> vector<1024x128xf32>
    %get3A_17 = arith.constant 0 : index
    %get3A_18 = arith.constant 0 : index
    %get3A_19 = vector.load %arg4[%get3A_17, %get3A_18] : memref<128x256xf32, #tpu.memory_space<vmem>>, vector<128x256xf32>
    %dot_general3A_20 = arith.constant dense<0.000000e+00> : vector<1024x256xf32>
    %dot_general3A_21 = tpu.matmul %bitcast_convert_type3A_16, %get3A_19, %dot_general3A_20 {dimension_numbers = #tpu.dot_dimension_numbers<[1], [0], [0], [1], [0, 0, 1, 1], [], []>, transpose_lhs_hint = false} : vector<1024x128xf32>, vector<128x256xf32>, vector<1024x256xf32> -> vector<1024x256xf32>
    %add3A = arith.addf %dot_general3A_11, %dot_general3A_21 : vector<1024x256xf32>
    %bitcast_convert_type3A_22 = tpu.bitcast %get3A_1 : vector<1024x128xi32> -> vector<1024x128xi32>
    %shift_left3A = arith.constant 16 : i32
    %shift_left3A_23 = vector.broadcast %shift_left3A : i32 to vector<1024x128xi32>
    %shift_left3A_24 = arith.shli %bitcast_convert_type3A_22, %shift_left3A_23 : vector<1024x128xi32>
    %bitcast_convert_type3A_25 = tpu.bitcast %shift_left3A_24 : vector<1024x128xi32> -> vector<1024x128xf32>
    %bitcast_convert_type3A_26 = tpu.bitcast %get3A_4 : vector<1024x128xi32> -> vector<1024x128xi32>
    %shift_left3A_27 = arith.constant 16 : i32
    %shift_left3A_28 = vector.broadcast %shift_left3A_27 : i32 to vector<1024x128xi32>
    %shift_left3A_29 = arith.shli %bitcast_convert_type3A_26, %shift_left3A_28 : vector<1024x128xi32>
    %bitcast_convert_type3A_30 = tpu.bitcast %shift_left3A_29 : vector<1024x128xi32> -> vector<1024x128xf32>
    %mul3A = arith.mulf %bitcast_convert_type3A_25, %bitcast_convert_type3A_30 : vector<1024x128xf32>
    %get3A_31 = arith.constant 0 : index
    %get3A_32 = arith.constant 0 : index
    %get3A_33 = vector.load %arg5[%get3A_31, %get3A_32] : memref<128x256xf32, #tpu.memory_space<vmem>>, vector<128x256xf32>
    %dot_general3A_34 = arith.constant dense<0.000000e+00> : vector<1024x256xf32>
    %dot_general3A_35 = tpu.matmul %mul3A, %get3A_33, %dot_general3A_34 {dimension_numbers = #tpu.dot_dimension_numbers<[1], [0], [0], [1], [0, 0, 1, 1], [], []>, transpose_lhs_hint = false} : vector<1024x128xf32>, vector<128x256xf32>, vector<1024x256xf32> -> vector<1024x256xf32>
    %add3A_36 = arith.addf %add3A, %dot_general3A_35 : vector<1024x256xf32>
    %get3A_37 = arith.constant 0 : index
    %get3A_38 = arith.constant 0 : index
    %get3A_39 = vector.load %arg6[%get3A_37, %get3A_38] : memref<1x256xf32, #tpu.memory_space<vmem>>, vector<1x256xf32>
    %add3A_40 = vector.broadcast %get3A_39 : vector<1x256xf32> to vector<1024x256xf32>
    %add3A_41 = arith.addf %add3A_36, %add3A_40 : vector<1024x256xf32>
    %max3A = arith.constant 0.000000e+00 : f32
    %max3A_42 = vector.broadcast %max3A : f32 to vector<1024x256xf32>
    %max3A_43 = arith.maximumf %add3A_41, %max3A_42 : vector<1024x256xf32>
    %get3A_44 = arith.constant 0 : index
    %get3A_45 = arith.constant 0 : index
    %get3A_46 = vector.load %arg7[%get3A_44, %get3A_45] : memref<256x256xf32, #tpu.memory_space<vmem>>, vector<256x256xf32>
    %dot_general3A_47 = arith.constant dense<0.000000e+00> : vector<1024x256xf32>
    %dot_general3A_48 = tpu.matmul %max3A_43, %get3A_46, %dot_general3A_47 {dimension_numbers = #tpu.dot_dimension_numbers<[1], [0], [0], [1], [0, 0, 1, 1], [], []>, transpose_lhs_hint = false} : vector<1024x256xf32>, vector<256x256xf32>, vector<1024x256xf32> -> vector<1024x256xf32>
    %get3A_49 = arith.constant 0 : index
    %get3A_50 = arith.constant 0 : index
    %get3A_51 = vector.load %arg8[%get3A_49, %get3A_50] : memref<1x256xf32, #tpu.memory_space<vmem>>, vector<1x256xf32>
    %add3A_52 = vector.broadcast %get3A_51 : vector<1x256xf32> to vector<1024x256xf32>
    %add3A_53 = arith.addf %dot_general3A_48, %add3A_52 : vector<1024x256xf32>
    %max3A_54 = arith.constant 0.000000e+00 : f32
    %max3A_55 = vector.broadcast %max3A_54 : f32 to vector<1024x256xf32>
    %max3A_56 = arith.maximumf %add3A_53, %max3A_55 : vector<1024x256xf32>
    %get3A_57 = arith.constant 0 : index
    %get3A_58 = arith.constant 0 : index
    %get3A_59 = vector.load %arg9[%get3A_57, %get3A_58] : memref<256x128xf32, #tpu.memory_space<vmem>>, vector<256x128xf32>
    %dot_general3A_60 = arith.constant dense<0.000000e+00> : vector<1024x128xf32>
    %dot_general3A_61 = tpu.matmul %max3A_56, %get3A_59, %dot_general3A_60 {dimension_numbers = #tpu.dot_dimension_numbers<[1], [0], [0], [1], [0, 0, 1, 1], [], []>, transpose_lhs_hint = false} : vector<1024x256xf32>, vector<256x128xf32>, vector<1024x128xf32> -> vector<1024x128xf32>
    %get3A_62 = arith.constant 0 : index
    %get3A_63 = arith.constant 0 : index
    %get3A_64 = vector.load %arg10[%get3A_62, %get3A_63] : memref<1x128xf32, #tpu.memory_space<vmem>>, vector<1x128xf32>
    %add3A_65 = vector.broadcast %get3A_64 : vector<1x128xf32> to vector<1024x128xf32>
    %add3A_66 = arith.addf %dot_general3A_61, %add3A_65 : vector<1024x128xf32>
    %swap3A = arith.constant 0 : index
    %swap3A_67 = arith.constant 0 : index
    %swap3A_68 = vector.load %arg11[%swap3A, %swap3A_67] : memref<1024x128xf32, #tpu.memory_space<vmem>>, vector<1024x128xf32>
    tpu.vector_store %arg11[%swap3A, %swap3A_67], %add3A_66 {strides = array<i32>} : memref<1024x128xf32, #tpu.memory_space<vmem>>, vector<1024x128xf32>,
    return
  }
  func.func @transform_0(%arg0: i32) -> (i32, i32) {
    %c0_i32 = arith.constant 0 : i32
    %c0_i32_0 = arith.constant 0 : i32
    return %arg0, %c0_i32 : i32, i32
  }
  func.func @transform_1(%arg0: i32) -> (i32, i32) {
    %c0_i32 = arith.constant 0 : i32
    %c0_i32_0 = arith.constant 0 : i32
    return %arg0, %c0_i32 : i32, i32
  }
  func.func @transform_2(%arg0: i32) -> (i32, i32) {
    %c0_i32 = arith.constant 0 : i32
    %c0_i32_0 = arith.constant 0 : i32
    %c0_i32_1 = arith.constant 0 : i32
    return %c0_i32, %c0_i32_0 : i32, i32
  }
  func.func @transform_3(%arg0: i32) -> (i32, i32) {
    %c0_i32 = arith.constant 0 : i32
    %c0_i32_0 = arith.constant 0 : i32
    %c0_i32_1 = arith.constant 0 : i32
    return %c0_i32, %c0_i32_0 : i32, i32
  }
  func.func @transform_4(%arg0: i32) -> (i32, i32) {
    %c0_i32 = arith.constant 0 : i32
    %c0_i32_0 = arith.constant 0 : i32
    %c0_i32_1 = arith.constant 0 : i32
    return %c0_i32, %c0_i32_0 : i32, i32
  }
  func.func @transform_5(%arg0: i32) -> (i32, i32) {
    %c0_i32 = arith.constant 0 : i32
    %c0_i32_0 = arith.constant 0 : i32
    %c0_i32_1 = arith.constant 0 : i32
    return %c0_i32, %c0_i32_0 : i32, i32
  }
  func.func @transform_6(%arg0: i32) -> (i32, i32) {
    %c0_i32 = arith.constant 0 : i32
    %c0_i32_0 = arith.constant 0 : i32
    %c0_i32_1 = arith.constant 0 : i32
    return %c0_i32, %c0_i32_0 : i32, i32
  }
  func.func @transform_7(%arg0: i32) -> (i32, i32) {
    %c0_i32 = arith.constant 0 : i32
    %c0_i32_0 = arith.constant 0 : i32
    %c0_i32_1 = arith.constant 0 : i32
    return %c0_i32, %c0_i32_0 : i32, i32
  }
  func.func @transform_8(%arg0: i32) -> (i32, i32) {
    %c0_i32 = arith.constant 0 : i32
    %c0_i32_0 = arith.constant 0 : i32
    %c0_i32_1 = arith.constant 0 : i32
    return %c0_i32, %c0_i32_0 : i32, i32
  }
  func.func @transform_9(%arg0: i32) -> (i32, i32) {
    %c0_i32 = arith.constant 0 : i32
    %c0_i32_0 = arith.constant 0 : i32
    %c0_i32_1 = arith.constant 0 : i32
    return %c0_i32, %c0_i32_0 : i32, i32
  }
  func.func @transform_10(%arg0: i32) -> (i32, i32) {
    %c0_i32 = arith.constant 0 : i32
    %c0_i32_0 = arith.constant 0 : i32
    return %arg0, %c0_i32 : i32, i32
  }
}

module attributes {stable_mosaic.version = 14 : i64} {
  func.func @_apply_body(%arg0: i32, %arg1: memref<256x128xf32, #tpu.memory_space<vmem>>, %arg2: memref<2x256x128xf32, #tpu.memory_space<vmem>>, %arg3: memref<128x256xf32, #tpu.memory_space<vmem>>, %arg4: memref<1x256xf32, #tpu.memory_space<vmem>>, %arg5: memref<256x256xf32, #tpu.memory_space<vmem>>, %arg6: memref<1x256xf32, #tpu.memory_space<vmem>>, %arg7: memref<256x128xf32, #tpu.memory_space<vmem>>, %arg8: memref<1x128xf32, #tpu.memory_space<vmem>>, %arg9: memref<128x256xf32, #tpu.memory_space<vmem>>, %arg10: memref<1x256xf32, #tpu.memory_space<vmem>>, %arg11: memref<256x256xf32, #tpu.memory_space<vmem>>, %arg12: memref<1x256xf32, #tpu.memory_space<vmem>>, %arg13: memref<256x128xf32, #tpu.memory_space<vmem>>, %arg14: memref<1x128xf32, #tpu.memory_space<vmem>>, %arg15: memref<128x256xf32, #tpu.memory_space<vmem>>, %arg16: memref<128x256xf32, #tpu.memory_space<vmem>>, %arg17: memref<128x256xf32, #tpu.memory_space<vmem>>, %arg18: memref<1x256xf32, #tpu.memory_space<vmem>>, %arg19: memref<256x256xf32, #tpu.memory_space<vmem>>, %arg20: memref<1x256xf32, #tpu.memory_space<vmem>>, %arg21: memref<256x128xf32, #tpu.memory_space<vmem>>, %arg22: memref<1x128xf32, #tpu.memory_space<vmem>>, %arg23: memref<256x128xf32, #tpu.memory_space<vmem>>) attributes {dimension_semantics = [#tpu.dimension_semantics<arbitrary>], iteration_bounds = array<i64: 50>, scalar_prefetch = 0 : i64, scratch_operands = 0 : i64, tpu.core_type = #tpu.core_type<tc>, window_params = [{transform_indices = @transform_0, window_bounds = array<i64: 256, 128>}, {transform_indices = @transform_1, window_bounds = array<i64: 2, 256, 128>}, {pipeline_mode = #tpu.pipeline_mode<synchronous>, transform_indices = @transform_2, window_bounds = array<i64: 128, 256>}, {pipeline_mode = #tpu.pipeline_mode<synchronous>, transform_indices = @transform_3, window_bounds = array<i64: 1, 256>}, {pipeline_mode = #tpu.pipeline_mode<synchronous>, transform_indices = @transform_4, window_bounds = array<i64: 256, 256>}, {pipeline_mode = #tpu.pipeline_mode<synchronous>, transform_indices = @transform_5, window_bounds = array<i64: 1, 256>}, {pipeline_mode = #tpu.pipeline_mode<synchronous>, transform_indices = @transform_6, window_bounds = array<i64: 256, 128>}, {pipeline_mode = #tpu.pipeline_mode<synchronous>, transform_indices = @transform_7, window_bounds = array<i64: 1, 128>}, {pipeline_mode = #tpu.pipeline_mode<synchronous>, transform_indices = @transform_8, window_bounds = array<i64: 128, 256>}, {pipeline_mode = #tpu.pipeline_mode<synchronous>, transform_indices = @transform_9, window_bounds = array<i64: 1, 256>}, {pipeline_mode = #tpu.pipeline_mode<synchronous>, transform_indices = @transform_10, window_bounds = array<i64: 256, 256>}, {pipeline_mode = #tpu.pipeline_mode<synchronous>, transform_indices = @transform_11, window_bounds = array<i64: 1, 256>}, {pipeline_mode = #tpu.pipeline_mode<synchronous>, transform_indices = @transform_12, window_bounds = array<i64: 256, 128>}, {pipeline_mode = #tpu.pipeline_mode<synchronous>, transform_indices = @transform_13, window_bounds = array<i64: 1, 128>}, {pipeline_mode = #tpu.pipeline_mode<synchronous>, transform_indices = @transform_14, window_bounds = array<i64: 128, 256>}, {pipeline_mode = #tpu.pipeline_mode<synchronous>, transform_indices = @transform_15, window_bounds = array<i64: 128, 256>}, {pipeline_mode = #tpu.pipeline_mode<synchronous>, transform_indices = @transform_16, window_bounds = array<i64: 128, 256>}, {pipeline_mode = #tpu.pipeline_mode<synchronous>, transform_indices = @transform_17, window_bounds = array<i64: 1, 256>}, {pipeline_mode = #tpu.pipeline_mode<synchronous>, transform_indices = @transform_18, window_bounds = array<i64: 256, 256>}, {pipeline_mode = #tpu.pipeline_mode<synchronous>, transform_indices = @transform_19, window_bounds = array<i64: 1, 256>}, {pipeline_mode = #tpu.pipeline_mode<synchronous>, transform_indices = @transform_20, window_bounds = array<i64: 256, 128>}, {pipeline_mode = #tpu.pipeline_mode<synchronous>, transform_indices = @transform_21, window_bounds = array<i64: 1, 128>}, {transform_indices = @transform_22, window_bounds = array<i64: 256, 128>}]} {
    %get3A = arith.constant 0 : index
    %get3A_0 = arith.constant 0 : index
    %get3A_1 = vector.load %arg1[%get3A, %get3A_0] : memref<256x128xf32, #tpu.memory_space<vmem>>, vector<256x128xf32>
    %get3A_2 = arith.constant 0 : index
    %get3A_3 = arith.constant 0 : index
    %get3A_4 = arith.constant 0 : index
    %get3A_5 = vector.load %arg2[%get3A_2, %get3A_3, %get3A_4] : memref<2x256x128xf32, #tpu.memory_space<vmem>>, vector<1x256x128xf32>
    %get3A_6 = vector.shape_cast %get3A_5 : vector<1x256x128xf32> to vector<256x128xf32>
    %get3A_7 = arith.constant 1 : index
    %get3A_8 = arith.constant 0 : index
    %get3A_9 = arith.constant 0 : index
    %get3A_10 = vector.load %arg2[%get3A_7, %get3A_8, %get3A_9] : memref<2x256x128xf32, #tpu.memory_space<vmem>>, vector<1x256x128xf32>
    %get3A_11 = vector.shape_cast %get3A_10 : vector<1x256x128xf32> to vector<256x128xf32>
    %add3A = arith.addf %get3A_6, %get3A_11 : vector<256x128xf32>
    %get3A_12 = arith.constant 0 : index
    %get3A_13 = arith.constant 0 : index
    %get3A_14 = vector.load %arg3[%get3A_12, %get3A_13] : memref<128x256xf32, #tpu.memory_space<vmem>>, vector<128x256xf32>
    %dot_general3A = arith.constant dense<0.000000e+00> : vector<256x256xf32>
    %dot_general3A_15 = tpu.matmul %get3A_1, %get3A_14, %dot_general3A {dimension_numbers = #tpu.dot_dimension_numbers<[1], [0], [0], [1], [0, 0, 1, 1], [], []>, transpose_lhs_hint = false} : vector<256x128xf32>, vector<128x256xf32>, vector<256x256xf32> -> vector<256x256xf32>
    %get3A_16 = arith.constant 0 : index
    %get3A_17 = arith.constant 0 : index
    %get3A_18 = vector.load %arg4[%get3A_16, %get3A_17] : memref<1x256xf32, #tpu.memory_space<vmem>>, vector<1x256xf32>
    %add3A_19 = vector.broadcast %get3A_18 : vector<1x256xf32> to vector<256x256xf32>
    %add3A_20 = arith.addf %dot_general3A_15, %add3A_19 : vector<256x256xf32>
    %max3A = arith.constant 0.000000e+00 : f32
    %max3A_21 = vector.broadcast %max3A : f32 to vector<256x256xf32>
    %max3A_22 = arith.maximumf %add3A_20, %max3A_21 : vector<256x256xf32>
    %get3A_23 = arith.constant 0 : index
    %get3A_24 = arith.constant 0 : index
    %get3A_25 = vector.load %arg5[%get3A_23, %get3A_24] : memref<256x256xf32, #tpu.memory_space<vmem>>, vector<256x256xf32>
    %dot_general3A_26 = arith.constant dense<0.000000e+00> : vector<256x256xf32>
    %dot_general3A_27 = tpu.matmul %max3A_22, %get3A_25, %dot_general3A_26 {dimension_numbers = #tpu.dot_dimension_numbers<[1], [0], [0], [1], [0, 0, 1, 1], [], []>, transpose_lhs_hint = false} : vector<256x256xf32>, vector<256x256xf32>, vector<256x256xf32> -> vector<256x256xf32>
    %get3A_28 = arith.constant 0 : index
    %get3A_29 = arith.constant 0 : index
    %get3A_30 = vector.load %arg6[%get3A_28, %get3A_29] : memref<1x256xf32, #tpu.memory_space<vmem>>, vector<1x256xf32>
    %add3A_31 = vector.broadcast %get3A_30 : vector<1x256xf32> to vector<256x256xf32>
    %add3A_32 = arith.addf %dot_general3A_27, %add3A_31 : vector<256x256xf32>
    %max3A_33 = arith.constant 0.000000e+00 : f32
    %max3A_34 = vector.broadcast %max3A_33 : f32 to vector<256x256xf32>
    %max3A_35 = arith.maximumf %add3A_32, %max3A_34 : vector<256x256xf32>
    %get3A_36 = arith.constant 0 : index
    %get3A_37 = arith.constant 0 : index
    %get3A_38 = vector.load %arg7[%get3A_36, %get3A_37] : memref<256x128xf32, #tpu.memory_space<vmem>>, vector<256x128xf32>
    %dot_general3A_39 = arith.constant dense<0.000000e+00> : vector<256x128xf32>
    %dot_general3A_40 = tpu.matmul %max3A_35, %get3A_38, %dot_general3A_39 {dimension_numbers = #tpu.dot_dimension_numbers<[1], [0], [0], [1], [0, 0, 1, 1], [], []>, transpose_lhs_hint = false} : vector<256x256xf32>, vector<256x128xf32>, vector<256x128xf32> -> vector<256x128xf32>
    %get3A_41 = arith.constant 0 : index
    %get3A_42 = arith.constant 0 : index
    %get3A_43 = vector.load %arg8[%get3A_41, %get3A_42] : memref<1x128xf32, #tpu.memory_space<vmem>>, vector<1x128xf32>
    %add3A_44 = vector.broadcast %get3A_43 : vector<1x128xf32> to vector<256x128xf32>
    %add3A_45 = arith.addf %dot_general3A_40, %add3A_44 : vector<256x128xf32>
    %get3A_46 = arith.constant 0 : index
    %get3A_47 = arith.constant 0 : index
    %get3A_48 = vector.load %arg9[%get3A_46, %get3A_47] : memref<128x256xf32, #tpu.memory_space<vmem>>, vector<128x256xf32>
    %dot_general3A_49 = arith.constant dense<0.000000e+00> : vector<256x256xf32>
    %dot_general3A_50 = tpu.matmul %add3A, %get3A_48, %dot_general3A_49 {dimension_numbers = #tpu.dot_dimension_numbers<[1], [0], [0], [1], [0, 0, 1, 1], [], []>, transpose_lhs_hint = false} : vector<256x128xf32>, vector<128x256xf32>, vector<256x256xf32> -> vector<256x256xf32>
    %get3A_51 = arith.constant 0 : index
    %get3A_52 = arith.constant 0 : index
    %get3A_53 = vector.load %arg10[%get3A_51, %get3A_52] : memref<1x256xf32, #tpu.memory_space<vmem>>, vector<1x256xf32>
    %add3A_54 = vector.broadcast %get3A_53 : vector<1x256xf32> to vector<256x256xf32>
    %add3A_55 = arith.addf %dot_general3A_50, %add3A_54 : vector<256x256xf32>
    %max3A_56 = arith.constant 0.000000e+00 : f32
    %max3A_57 = vector.broadcast %max3A_56 : f32 to vector<256x256xf32>
    %max3A_58 = arith.maximumf %add3A_55, %max3A_57 : vector<256x256xf32>
    %get3A_59 = arith.constant 0 : index
    %get3A_60 = arith.constant 0 : index
    %get3A_61 = vector.load %arg11[%get3A_59, %get3A_60] : memref<256x256xf32, #tpu.memory_space<vmem>>, vector<256x256xf32>
    %dot_general3A_62 = arith.constant dense<0.000000e+00> : vector<256x256xf32>
    %dot_general3A_63 = tpu.matmul %max3A_58, %get3A_61, %dot_general3A_62 {dimension_numbers = #tpu.dot_dimension_numbers<[1], [0], [0], [1], [0, 0, 1, 1], [], []>, transpose_lhs_hint = false} : vector<256x256xf32>, vector<256x256xf32>, vector<256x256xf32> -> vector<256x256xf32>
    %get3A_64 = arith.constant 0 : index
    %get3A_65 = arith.constant 0 : index
    %get3A_66 = vector.load %arg12[%get3A_64, %get3A_65] : memref<1x256xf32, #tpu.memory_space<vmem>>, vector<1x256xf32>
    %add3A_67 = vector.broadcast %get3A_66 : vector<1x256xf32> to vector<256x256xf32>
    %add3A_68 = arith.addf %dot_general3A_63, %add3A_67 : vector<256x256xf32>
    %max3A_69 = arith.constant 0.000000e+00 : f32
    %max3A_70 = vector.broadcast %max3A_69 : f32 to vector<256x256xf32>
    %max3A_71 = arith.maximumf %add3A_68, %max3A_70 : vector<256x256xf32>
    %get3A_72 = arith.constant 0 : index
    %get3A_73 = arith.constant 0 : index
    %get3A_74 = vector.load %arg13[%get3A_72, %get3A_73] : memref<256x128xf32, #tpu.memory_space<vmem>>, vector<256x128xf32>
    %dot_general3A_75 = arith.constant dense<0.000000e+00> : vector<256x128xf32>
    %dot_general3A_76 = tpu.matmul %max3A_71, %get3A_74, %dot_general3A_75 {dimension_numbers = #tpu.dot_dimension_numbers<[1], [0], [0], [1], [0, 0, 1, 1], [], []>, transpose_lhs_hint = false} : vector<256x256xf32>, vector<256x128xf32>, vector<256x128xf32> -> vector<256x128xf32>
    %get3A_77 = arith.constant 0 : index
    %get3A_78 = arith.constant 0 : index
    %get3A_79 = vector.load %arg14[%get3A_77, %get3A_78] : memref<1x128xf32, #tpu.memory_space<vmem>>, vector<1x128xf32>
    %add3A_80 = vector.broadcast %get3A_79 : vector<1x128xf32> to vector<256x128xf32>
    %add3A_81 = arith.addf %dot_general3A_76, %add3A_80 : vector<256x128xf32>
    %mul3A = arith.mulf %add3A_45, %add3A_81 : vector<256x128xf32>
    %get3A_82 = arith.constant 0 : index
    %get3A_83 = arith.constant 0 : index
    %get3A_84 = vector.load %arg15[%get3A_82, %get3A_83] : memref<128x256xf32, #tpu.memory_space<vmem>>, vector<128x256xf32>
    %dot_general3A_85 = arith.constant dense<0.000000e+00> : vector<256x256xf32>
    %dot_general3A_86 = tpu.matmul %get3A_1, %get3A_84, %dot_general3A_85 {dimension_numbers = #tpu.dot_dimension_numbers<[1], [0], [0], [1], [0, 0, 1, 1], [], []>, transpose_lhs_hint = false} : vector<256x128xf32>, vector<128x256xf32>, vector<256x256xf32> -> vector<256x256xf32>
    %get3A_87 = arith.constant 0 : index
    %get3A_88 = arith.constant 0 : index
    %get3A_89 = vector.load %arg16[%get3A_87, %get3A_88] : memref<128x256xf32, #tpu.memory_space<vmem>>, vector<128x256xf32>
    %dot_general3A_90 = arith.constant dense<0.000000e+00> : vector<256x256xf32>
    %dot_general3A_91 = tpu.matmul %add3A, %get3A_89, %dot_general3A_90 {dimension_numbers = #tpu.dot_dimension_numbers<[1], [0], [0], [1], [0, 0, 1, 1], [], []>, transpose_lhs_hint = false} : vector<256x128xf32>, vector<128x256xf32>, vector<256x256xf32> -> vector<256x256xf32>
    %add3A_92 = arith.addf %dot_general3A_86, %dot_general3A_91 : vector<256x256xf32>
    %get3A_93 = arith.constant 0 : index
    %get3A_94 = arith.constant 0 : index
    %get3A_95 = vector.load %arg17[%get3A_93, %get3A_94] : memref<128x256xf32, #tpu.memory_space<vmem>>, vector<128x256xf32>
    %dot_general3A_96 = arith.constant dense<0.000000e+00> : vector<256x256xf32>
    %dot_general3A_97 = tpu.matmul %mul3A, %get3A_95, %dot_general3A_96 {dimension_numbers = #tpu.dot_dimension_numbers<[1], [0], [0], [1], [0, 0, 1, 1], [], []>, transpose_lhs_hint = false} : vector<256x128xf32>, vector<128x256xf32>, vector<256x256xf32> -> vector<256x256xf32>
    %add3A_98 = arith.addf %add3A_92, %dot_general3A_97 : vector<256x256xf32>
    %get3A_99 = arith.constant 0 : index
    %get3A_100 = arith.constant 0 : index
    %get3A_101 = vector.load %arg18[%get3A_99, %get3A_100] : memref<1x256xf32, #tpu.memory_space<vmem>>, vector<1x256xf32>
    %add3A_102 = vector.broadcast %get3A_101 : vector<1x256xf32> to vector<256x256xf32>
    %add3A_103 = arith.addf %add3A_98, %add3A_102 : vector<256x256xf32>
    %max3A_104 = arith.constant 0.000000e+00 : f32
    %max3A_105 = vector.broadcast %max3A_104 : f32 to vector<256x256xf32>
    %max3A_106 = arith.maximumf %add3A_103, %max3A_105 : vector<256x256xf32>
    %get3A_107 = arith.constant 0 : index
    %get3A_108 = arith.constant 0 : index
    %get3A_109 = vector.load %arg19[%get3A_107, %get3A_108] : memref<256x256xf32, #tpu.memory_space<vmem>>, vector<256x256xf32>
    %dot_general3A_110 = arith.constant dense<0.000000e+00> : vector<256x256xf32>
    %dot_general3A_111 = tpu.matmul %max3A_106, %get3A_109, %dot_general3A_110 {dimension_numbers = #tpu.dot_dimension_numbers<[1], [0], [0], [1], [0, 0, 1, 1], [], []>, transpose_lhs_hint = false} : vector<256x256xf32>, vector<256x256xf32>, vector<256x256xf32> -> vector<256x256xf32>
    %get3A_112 = arith.constant 0 : index
    %get3A_113 = arith.constant 0 : index
    %get3A_114 = vector.load %arg20[%get3A_112, %get3A_113] : memref<1x256xf32, #tpu.memory_space<vmem>>, vector<1x256xf32>
    %add3A_115 = vector.broadcast %get3A_114 : vector<1x256xf32> to vector<256x256xf32>
    %add3A_116 = arith.addf %dot_general3A_111, %add3A_115 : vector<256x256xf32>
    %max3A_117 = arith.constant 0.000000e+00 : f32
    %max3A_118 = vector.broadcast %max3A_117 : f32 to vector<256x256xf32>
    %max3A_119 = arith.maximumf %add3A_116, %max3A_118 : vector<256x256xf32>
    %get3A_120 = arith.constant 0 : index
    %get3A_121 = arith.constant 0 : index
    %get3A_122 = vector.load %arg21[%get3A_120, %get3A_121] : memref<256x128xf32, #tpu.memory_space<vmem>>, vector<256x128xf32>
    %dot_general3A_123 = arith.constant dense<0.000000e+00> : vector<256x128xf32>
    %dot_general3A_124 = tpu.matmul %max3A_119, %get3A_122, %dot_general3A_123 {dimension_numbers = #tpu.dot_dimension_numbers<[1], [0], [0], [1], [0, 0, 1, 1], [], []>, transpose_lhs_hint = false} : vector<256x256xf32>, vector<256x128xf32>, vector<256x128xf32> -> vector<256x128xf32>
    %get3A_125 = arith.constant 0 : index
    %get3A_126 = arith.constant 0 : index
    %get3A_127 = vector.load %arg22[%get3A_125, %get3A_126] : memref<1x128xf32, #tpu.memory_space<vmem>>, vector<1x128xf32>
    %add3A_128 = vector.broadcast %get3A_127 : vector<1x128xf32> to vector<256x128xf32>
    %add3A_129 = arith.addf %dot_general3A_124, %add3A_128 : vector<256x128xf32>
    %swap3A = arith.constant 0 : index
    %swap3A_130 = arith.constant 0 : index
    %swap3A_131 = vector.load %arg23[%swap3A, %swap3A_130] : memref<256x128xf32, #tpu.memory_space<vmem>>, vector<256x128xf32>
    tpu.vector_store %arg23[%swap3A, %swap3A_130], %add3A_129 {strides = array<i32>} : memref<256x128xf32, #tpu.memory_space<vmem>>, vector<256x128xf32>,
    return
  }
  func.func @transform_0(%arg0: i32) -> (i32, i32) {
    %c0_i32 = arith.constant 0 : i32
    %c0_i32_0 = arith.constant 0 : i32
    return %arg0, %c0_i32 : i32, i32
  }
  func.func @transform_1(%arg0: i32) -> (i32, i32, i32) {
    %c0_i32 = arith.constant 0 : i32
    %c0_i32_0 = arith.constant 0 : i32
    %c0_i32_1 = arith.constant 0 : i32
    return %c0_i32, %arg0, %c0_i32_0 : i32, i32, i32
  }
  func.func @transform_2(%arg0: i32) -> (i32, i32) {
    %c0_i32 = arith.constant 0 : i32
    %c0_i32_0 = arith.constant 0 : i32
    %c0_i32_1 = arith.constant 0 : i32
    return %c0_i32, %c0_i32_0 : i32, i32
  }
  func.func @transform_3(%arg0: i32) -> (i32, i32) {
    %c0_i32 = arith.constant 0 : i32
    %c0_i32_0 = arith.constant 0 : i32
    %c0_i32_1 = arith.constant 0 : i32
    return %c0_i32, %c0_i32_0 : i32, i32
  }
  func.func @transform_4(%arg0: i32) -> (i32, i32) {
    %c0_i32 = arith.constant 0 : i32
    %c0_i32_0 = arith.constant 0 : i32
    %c0_i32_1 = arith.constant 0 : i32
    return %c0_i32, %c0_i32_0 : i32, i32
  }
  func.func @transform_5(%arg0: i32) -> (i32, i32) {
    %c0_i32 = arith.constant 0 : i32
    %c0_i32_0 = arith.constant 0 : i32
    %c0_i32_1 = arith.constant 0 : i32
    return %c0_i32, %c0_i32_0 : i32, i32
  }
  func.func @transform_6(%arg0: i32) -> (i32, i32) {
    %c0_i32 = arith.constant 0 : i32
    %c0_i32_0 = arith.constant 0 : i32
    %c0_i32_1 = arith.constant 0 : i32
    return %c0_i32, %c0_i32_0 : i32, i32
  }
  func.func @transform_7(%arg0: i32) -> (i32, i32) {
    %c0_i32 = arith.constant 0 : i32
    %c0_i32_0 = arith.constant 0 : i32
    %c0_i32_1 = arith.constant 0 : i32
    return %c0_i32, %c0_i32_0 : i32, i32
  }
  func.func @transform_8(%arg0: i32) -> (i32, i32) {
    %c0_i32 = arith.constant 0 : i32
    %c0_i32_0 = arith.constant 0 : i32
    %c0_i32_1 = arith.constant 0 : i32
    return %c0_i32, %c0_i32_0 : i32, i32
  }
  func.func @transform_9(%arg0: i32) -> (i32, i32) {
    %c0_i32 = arith.constant 0 : i32
    %c0_i32_0 = arith.constant 0 : i32
    %c0_i32_1 = arith.constant 0 : i32
    return %c0_i32, %c0_i32_0 : i32, i32
  }
  func.func @transform_10(%arg0: i32) -> (i32, i32) {
    %c0_i32 = arith.constant 0 : i32
    %c0_i32_0 = arith.constant 0 : i32
    %c0_i32_1 = arith.constant 0 : i32
    return %c0_i32, %c0_i32_0 : i32, i32
  }
  func.func @transform_11(%arg0: i32) -> (i32, i32) {
    %c0_i32 = arith.constant 0 : i32
    %c0_i32_0 = arith.constant 0 : i32
    %c0_i32_1 = arith.constant 0 : i32
    return %c0_i32, %c0_i32_0 : i32, i32
  }
  func.func @transform_12(%arg0: i32) -> (i32, i32) {
    %c0_i32 = arith.constant 0 : i32
    %c0_i32_0 = arith.constant 0 : i32
    %c0_i32_1 = arith.constant 0 : i32
    return %c0_i32, %c0_i32_0 : i32, i32
  }
  func.func @transform_13(%arg0: i32) -> (i32, i32) {
    %c0_i32 = arith.constant 0 : i32
    %c0_i32_0 = arith.constant 0 : i32
    %c0_i32_1 = arith.constant 0 : i32
    return %c0_i32, %c0_i32_0 : i32, i32
  }
  func.func @transform_14(%arg0: i32) -> (i32, i32) {
    %c0_i32 = arith.constant 0 : i32
    %c0_i32_0 = arith.constant 0 : i32
    %c0_i32_1 = arith.constant 0 : i32
    return %c0_i32, %c0_i32_0 : i32, i32
  }
  func.func @transform_15(%arg0: i32) -> (i32, i32) {
    %c0_i32 = arith.constant 0 : i32
    %c0_i32_0 = arith.constant 0 : i32
    %c0_i32_1 = arith.constant 0 : i32
    return %c0_i32, %c0_i32_0 : i32, i32
  }
  func.func @transform_16(%arg0: i32) -> (i32, i32) {
    %c0_i32 = arith.constant 0 : i32
    %c0_i32_0 = arith.constant 0 : i32
    %c0_i32_1 = arith.constant 0 : i32
    return %c0_i32, %c0_i32_0 : i32, i32
  }
  func.func @transform_17(%arg0: i32) -> (i32, i32) {
    %c0_i32 = arith.constant 0 : i32
    %c0_i32_0 = arith.constant 0 : i32
    %c0_i32_1 = arith.constant 0 : i32
    return %c0_i32, %c0_i32_0 : i32, i32
  }
  func.func @transform_18(%arg0: i32) -> (i32, i32) {
    %c0_i32 = arith.constant 0 : i32
    %c0_i32_0 = arith.constant 0 : i32
    %c0_i32_1 = arith.constant 0 : i32
    return %c0_i32, %c0_i32_0 : i32, i32
  }
  func.func @transform_19(%arg0: i32) -> (i32, i32) {
    %c0_i32 = arith.constant 0 : i32
    %c0_i32_0 = arith.constant 0 : i32
    %c0_i32_1 = arith.constant 0 : i32
    return %c0_i32, %c0_i32_0 : i32, i32
  }
  func.func @transform_20(%arg0: i32) -> (i32, i32) {
    %c0_i32 = arith.constant 0 : i32
    %c0_i32_0 = arith.constant 0 : i32
    %c0_i32_1 = arith.constant 0 : i32
    return %c0_i32, %c0_i32_0 : i32, i32
  }
  func.func @transform_21(%arg0: i32) -> (i32, i32) {
    %c0_i32 = arith.constant 0 : i32
    %c0_i32_0 = arith.constant 0 : i32
    %c0_i32_1 = arith.constant 0 : i32
    return %c0_i32, %c0_i32_0 : i32, i32
  }
  func.func @transform_22(%arg0: i32) -> (i32, i32) {
    %c0_i32 = arith.constant 0 : i32
    %c0_i32_0 = arith.constant 0 : i32
    return %arg0, %c0_i32 : i32, i32
  }
}

</mosaic_0001>

<sc_bundles>
// kernel: kernel.10.cloned.1.call-start
scs
__scs_entry_jumppad:
0x0: {  	(pc) =	sbr.rel $0x88, $3  }
0x1: {  	(tag) =	ssettag $0x0;
	lr =	simm.s32 $0x1  }
0x2: {  	[smem:$0x3F79] =	sst lr;
	_ =	strace $0xD0000000  }
0x3: {  	_ = 	snop  }
0x4: {  	_ = 	snop  }
0x5: {  	_ = 	snop  }
0x6: {  	_ = 	snop  }
0x7: {  	_ = 	snop  }
__scs_overlays_trampoline_lowered:
0x8: {  	[smem:$0x3F88] =	sst s0  }
0x9: {  	[smem:$0x3F89] =	sst s1  }
0xa: {  	[smem:$0x3F8A] =	sst s2  }
0xb: {  	[smem:$0x3F8B] =	sst s3  }
0xc: {  	[smem:$0x3F8C] =	sst s4  }
0xd: {  	[smem:$0x3F8D] =	sst s5  }
0xe: {  	[smem:$0x3F8E] =	sst s6  }
0xf: {  	[smem:$0x3F8F] =	sst s7  }
0x10: {  	[smem:$0x3F90] =	sst s8  }
0x11: {  	[smem:$0x3F91] =	sst s9;
	s0 =	simm.s32 @!p0 $0x0  }
0x12: {  	s1 =	sld [smem:$0x3F77];
	s0 =	simm.s32 @p0 $0x1  }
0x13: {  	[smem:$0x3F92] =	sst s0;
	s0 =	simm.s32 @!p1 $0x0  }
0x14: {  	s2 =	sld [smem:$0x3F76];
	s0 =	simm.s32 @p1 $0x1  }
0x15: {  	[smem:$0x3F93] =	sst s0;
	s0 =	simm.s32 @!p2 $0x0  }
0x16: {  	s3 =	sld [smem:$0x3FDB];
	s0 =	simm.s32 @p2 $0x1  }
0x17: {  	s4 =	simm.s32 $0x1BF5;
	[smem:$0x3F95] =	sst s0  }
0x18: {  	s0 =	sld [smem:$0x3F78];
	_ =	swait.ge [sflag:s4], $0x0  }
0x19: {  	s7 =	sld [smem:$0x3F79]  }
0x1a: {  	s8 =	sadd.s32 $0xFFFFE003, lr  }
0x1b: {  	s9 =	sadd.s32 $0xFFFFFEF7, lr;
	s5 =	simm.s32 $0xFFFFFFFF;
	p2 =	slt.u32 s8, $0xFFFFF086  }
0x1c: {  	p1 =	slt.u32 s9, $0xF7A;
	s5 =	simm.s32 @!p2 $0x0  }
0x1d: {  	s5 =	simm.s32 @p1 $0x1;
	p0 =	seq.s32 s7, s2  }
0x1e: {  	s7 =	smul.u32 @!p0 $0xF7A, s2;
	p2 =	seq.s32 @!p0 s5, $0x0  }
0x1f: {  	s9 =	smul.u32 $0xF7A, s1;
	s8 =	simm.s32 @!p0 $0x1BF5;
	p2 =	por !p2, p0  }
0x20: {  	[sflag:s8] =	ssyncset.s32 @!p0 $0xFFFFF086;
	s6 =	sadd.s32 @!p0 s3, s7;
	s7 =	simm.s32 @!p0 $0x108  }
0x21: {  	s3 =	sadd.s32 s3, s9;
	s6 =	sadd.s32 @!p0 $0x88, s6;
	s7 =	simm.s32 @p2 $0x1082  }
0x22: {  	[simem:s7], [sflag:s8] =	dma.local @!p0 [hbm:s6], $0xF7A  }
0x23: {  	s9 =	sor.u32 $0xD0000000, s2;
	s6 =	simm.s32 $0x108;
	_ =	swait.ge @!p0 [sflag:s8], $0x0  }
0x24: {  	s3 =	sadd.s32 $0x88, s3;
	s6 =	simm.s32 @!p1 $0x1082;
	[sflag:s4] =	ssyncset.s32 $0xFFFFF086  }
0x25: {  	[simem:s6], [sflag:s4] =	dma.local [hbm:s3], $0xF7A  }
0x26: {  	[smem:$0x3F79] =	sst s1;
	(tag) =	ssettag s2;
	_ =	strace s9  }
0x27: {  	s1 =	sld [smem:$0x3F89]  }
0x28: {  	s2 =	sld [smem:$0x3F8A]  }
0x29: {  	s4 =	sld [smem:$0x3F8C]  }
0x2a: {  	p0 =	seq.s32 s5, $0x0;
	s5 =	sld [smem:$0x3F8D]  }
0x2b: {  	s6 =	sld [smem:$0x3F8E]  }
0x2c: {  	s7 =	sld [smem:$0x3F8F]  }
0x2d: {  	s3 =	simm.s32 $0x108;
	s8 =	sld [smem:$0x3F90]  }
0x2e: {  	s3 =	simm.s32 @!p0 $0x1082;
	s9 =	sld [smem:$0x3F91]  }
0x2f: {  	lr =	sadd.s32 s0, s3;
	s0 =	sld [smem:$0x3F88]  }
0x30: {  	s3 =	sld [smem:$0x3F8B]  }
0x31: {  	[smem:$0x3F94] =	sst s10  }
0x32: {  	s10 =	sld [smem:$0x3F92];
	_ =	sdelay $0x3  }
0x33: {  	p0 =	seq.s32 s10, $0x1;
	s10 =	sld [smem:$0x3F94];
	_ =	sdelay $0x3  }
0x34: {  	[smem:$0x3F94] =	sst s10  }
0x35: {  	s10 =	sld [smem:$0x3F93];
	_ =	sdelay $0x3  }
0x36: {  	p1 =	seq.s32 s10, $0x1;
	s10 =	sld [smem:$0x3F94];
	_ =	sdelay $0x3  }
0x37: {  	[smem:$0x3F94] =	sst s10  }
0x38: {  	s10 =	sld [smem:$0x3F95]  }
0x39: {  	_ = 	snop;
	(pc) =	sbr.ind lr, $3  }
0x3a: {  	_ = 	snop  }
0x3b: {  	_ = 	snop  }
0x3c: {  	p2 =	seq.s32 s10, $0x1;
	s10 =	sld [smem:$0x3F94]  }
0x3d: {  	_ =	shalt  }
0x3e: {  	_ =	shalt  }
0x3f: {  	_ =	shalt  }
0x40: {  	_ =	shalt  }
0x41: {  	_ =	shalt  }
0x42: {  	_ =	shalt  }
0x43: {  	_ =	shalt  }
0x44: {  	_ =	shalt  }
0x45: {  	_ =	shalt  }
0x46: {  	_ =	shalt  }
0x47: {  	_ =	shalt  }
0x48: {  	_ =	shalt  }
0x49: {  	_ =	shalt  }
0x4a: {  	_ =	shalt  }
0x4b: {  	_ =	shalt  }
0x4c: {  	_ =	shalt  }
0x4d: {  	_ =	shalt  }
0x4e: {  	_ =	shalt  }
0x4f: {  	_ =	shalt  }
0x50: {  	_ =	shalt  }
0x51: {  	_ =	shalt  }
0x52: {  	_ =	shalt  }
0x53: {  	_ =	shalt  }
0x54: {  	_ =	shalt  }
0x55: {  	_ =	shalt  }
0x56: {  	_ =	shalt  }
0x57: {  	_ =	shalt  }
0x58: {  	_ =	shalt  }
0x59: {  	_ =	shalt  }
0x5a: {  	_ =	shalt  }
0x5b: {  	_ =	shalt  }
0x5c: {  	_ =	shalt  }
0x5d: {  	_ =	shalt  }
0x5e: {  	_ =	shalt  }
0x5f: {  	_ =	shalt  }
0x60: {  	_ =	shalt  }
0x61: {  	_ =	shalt  }
0x62: {  	_ =	shalt  }
0x63: {  	_ =	shalt  }
0x64: {  	_ =	shalt  }
0x65: {  	_ =	shalt  }
0x66: {  	_ =	shalt  }
0x67: {  	_ =	shalt  }
0x68: {  	_ =	shalt  }
0x69: {  	_ =	shalt  }
0x6a: {  	_ =	shalt  }
0x6b: {  	_ =	shalt  }
0x6c: {  	_ =	shalt  }
0x6d: {  	_ =	shalt  }
0x6e: {  	_ =	shalt  }
0x6f: {  	_ =	shalt  }
0x70: {  	_ =	shalt  }
0x71: {  	_ =	shalt  }
0x72: {  	_ =	shalt  }
0x73: {  	_ =	shalt  }
0x74: {  	_ =	shalt  }
0x75: {  	_ =	shalt  }
0x76: {  	_ =	shalt  }
0x77: {  	_ =	shalt  }
0x78: {  	_ =	shalt  }
0x79: {  	_ =	shalt  }
0x7a: {  	_ =	shalt  }
0x7b: {  	_ =	shalt  }
0x7c: {  	_ =	shalt  }
0x7d: {  	_ =	shalt  }
0x7e: {  	_ =	shalt  }
0x7f: {  	_ =	shalt  }
0x80: {  	_ =	shalt  }
0x81: {  	_ =	shalt  }
0x82: {  	_ =	shalt  }
0x83: {  	_ =	shalt  }
0x84: {  	_ =	shalt  }
0x85: {  	_ =	shalt  }
0x86: {  	_ =	shalt  }
0x87: {  	_ =	shalt  }
.Lfunc_end0:
.L_simem_size_0:
called_computation.1_lowered:
.L_overlay_start_0:
0x88: {  	s2 =	sld [smem:$0x3FD9]  }
0x89: {  	s3 =	sld [smem:$0x3FFE];
	_ =	sdelay $0x1  }
0x8a: {  	s1 =	srdreg.scid  }
0x8b: {  	s0 =	sand.u32 $0x1, s1  }
0x8c: {  	s16 =	sshll.u32 s0, $0xA;
	s2 =	sadd.s32 s3, s2  }
0x8d: {  	s2 =	sadd.s32 s2, s16  }
0x8e: {  	[smem:$0x3FA0] =	sst s2  }
0x8f: {  	_ = 	snop  }
0x90: {  	(tm) =	ssettm $0x1  }
0x91: {  	s17 =	sld [smem:$0x3FFB];
	_ =	sdelay $0x3  }
0x92: {  	_ =	strace s17  }
0x93: {  	s2 =	sld [smem:$0x3FFC];
	_ =	sdelay $0x3  }
0x94: {  	_ =	strace s2  }
0x95: {  	s2 =	sld [smem:$0x3FFD];
	_ =	sdelay $0x3  }
0x96: {  	_ =	strace s2  }
0x97: {  	_ =	strace $0x8FFFFFFF  }
0x98: {  	s18 =	sld [smem:$0x3FDB];
	_ =	sdelay $0x1  }
0x99: {  	s19 =	simm.s32 $_scs_section_size  }
0x9a: {  	s4 =	simm.s32 $_size__tile_overlayer_lowered;
	s5 =	simm.s32 $_tile_overlayer_lowered  }
0x9b: {  	s22 =	simm.s32 $0x1BFF;
	s21 =	sshll.u32 s5, $0x1;
	s2 =	sadd.s32 s19, s18  }
0x9c: {  	s6 =	simm.s32 $0x0;
	s20 =	sshll.u32 s4, $0x1;
	s4 =	sadd.s32 s21, s2  }
0x9d: {  	[timem:s6], [sflag:s22] =	dma.local [hbm:s4], s20  }
0x9e: {  	_ =	swait.ge [sflag:s22], s20  }
0x9f: {  	s3 =	ssub.s32 $0x0, s20;
	[sflag:s22] =	ssyncset.done $0x0  }
0xa0: {  	[sflag:s22] =	ssyncadd.s32 s3;
	_ =	sdelay $0x1  }
0xa1: {  	s23 =	simm.s32 $0x1B8B  }
0xa2: {  	_ =	swait.ge [sflag:s23], $0x1  }
0xa3: {  	[sflag:s23] =	ssyncset.done $0x0  }
0xa4: {  	s25 =	simm.s32 $0x1B8E;
	s24 =	sld [smem:$0x3FFE];
	[sflag:s23] =	ssyncadd.s32 $0xFFFFFFFF  }
0xa5: {  	s26 =	simm.s32 $execute0_lowered;
	[smem:$0x3FD2] =	sst s25  }
0xa6: {  	s4 =	sshll.u32 s26, $0x1;
	_ =	strace $0x80000049;
	[dreg:$0x1] =	wrdreg $0xFFFFFFFF  }
0xa7: {  	s28 =	simm.s32 $_size_execute0_lowered;
	s2 =	sadd.s32 s2, s4;
	[dreg:$0x0] =	wrdreg $0x0  }
0xa8: {  	s4 =	sshll.u32 s28, $0x1;
	[dreg:$0x2] =	wrdreg s2  }
0xa9: {  	[dreg:$0x3] =	wrdreg s4  }
0xaa: {  	[dreg:$0x4] =	wrdreg $0xC0  }
0xab: {  	_ =	task [dreg:s6], $0x5FFFF  }
0xac: {  	[dreg:$0x1] =	wrdreg $0xFFFFFFFF  }
0xad: {  	[dreg:$0x0] =	wrdreg $0x60  }
0xae: {  	[dreg:$0x2] =	wrdreg s24  }
0xaf: {  	[dreg:$0x3] =	wrdreg $0x44000  }
0xb0: {  	[dreg:$0x4] =	wrdreg $0x9  }
0xb1: {  	_ =	task.clear_ibuf [dreg:s6], $0x5FFFF;
	_ =	strace $0x90000049  }
0xb2: {  	s29 =	simm.s32 $0x9;
	_ =	strace $0x8000004B  }
0xb3: {  	_ =	swait.ge [sflag:s29], $0x1  }
0xb4: {  	[sflag:s29] =	ssyncadd.s32 $0xFFFFFFFF  }
0xb5: {  	_ =	strace $0x9000004B  }
0xb6: {  	_ =	sfence  }
0xb7: {  	s30 =	sld [smem:$0x0];
	_ =	sdelay $0x2  }
0xb8: {  	s31 =	sshll.u32 s1, $0xD;
	s1 =	sshrl.u32 s1, $0x2  }
0xb9: {  	s3 =	sand.u32 $0x4000, s31;
	s1 =	sadd.s32 s1, s30  }
0xba: {  	s0 =	sor.u32 s3, s0;
	s1 =	sshll.u32 s1, $0x11  }
0xbb: {  	s0 =	sor.u32 s1, s0  }
0xbc: {  	s0 =	sadd.s32 $0x8F2B, s0  }
0xbd: {  	[sflag:s0] =	ssyncadd.remote.s32 $0x1  }
0xbe: {  	_ =	sfence.sel $0xFFFF  }
0xbf: {  	[dreg:$0x0] =	wrdreg $0xFFFFFFFF;
	(pc) =	sbr.abs _section_cstart, $3  }
0xc0: {  	[dreg:$0x1] =	wrdreg $0xFFFFFFFF  }
0xc1: {  	_ =	task.clear_ibuf [dreg:s6], $0x2FFFF;
	_ =	strace $0x9FFFFFFF  }
0xc2: {  	(tm) =	ssettm $0x7FFFFFFF  }
0xc3: {  	_ =	shalt  }
tec
execute0_lowered:
.L_overlay_start_1:
0x0: {  	(tag) =	ssettag $0x1  }
0x1: {  	s0 =	srdreg.scid;
	s4 =	rddreg [dreg:$0x0]  }
0x2: {  	s9 =	stileid.u32;
	s2 =	rddreg [dreg:$0x1]  }
0x3: {  	s3 =	simm.s32 $0x0;
	s14 =	simm.s32 $0x400;
	s5 =	smul.u32 $0xC8000, s9  }
0x4: {  	s15 =	simm.s32 $0x1;
	s16 =	simm.s32 $0x80;
	s7 =	smul.u32 $0xC800, s9  }
0x5: {  	s17 =	simm.s32 $0xC00;
	s0 =	sand.u32 $0x1, s0;
	s11 =	smul.u32 $0x19000, s9  }
0x6: {  	s28 =	simm.s32 $0x300;
	s29 =	simm.s32 $0x3400;
	s1 =	smul.u32 $0xC80000, s0  }
0x7: {  	s30 =	simm.s32 $0x380;
	s31 =	simm.s32 $0x3C00;
	s6 =	smul.u32 $0xC8000, s0  }
0x8: {  	[smem:$0x7FF] =	sst s3;
	s20 =	smul.u32 $0x32000, s0;
	s0 =	ssub.s32 $0x2, s0  }
0x9: {  	s19 =	smul.u32 $0x64000, s9;
	_ =	strace $0x8000004A;
	s8 =	sshrl.u32 s0, $0x1  }
0xa: {  	s26 =	sshrl.u32 s11, $0x3;
	s1 =	sadd.s32 s5, s1;
	s18 =	sadd.s32 s7, s6  }
0xb: {  	s6 =	sshrl.u32 s19, $0x2;
	s7 =	sadd.s32 s20, s4;
	s0 =	ssub.s32 s0, s8  }
0xc: {  	s19 =	simm.s32 $0x1400;
	s20 =	simm.s32 $0x180;
	s1 =	sshrl.u32 s1, $0x3  }
0xd: {  	s5 =	sshrl.u32 s18, $0x3;
	s6 =	sadd.s32 s6, s2;
	s25 =	sadd.s32 $0x69600, s7  }
0xe: {  	s18 =	simm.s32 $0x100;
	s1 =	sadd.s32 s1, s4;
	s21 =	sadd.s32 $0x4000, s6  }
0xf: {  	s5 =	sadd.s32 s5, s4;
	s22 =	sadd.s32 $0x8000, s6;
	[dreg:$0x3] =	wrdreg s21  }
0x10: {  	s4 =	sadd.s32 s11, s2;
	s23 =	sadd.s32 $0xC000, s6;
	[dreg:$0x4] =	wrdreg s22  }
0x11: {  	s24 =	sadd.s32 $0x10000, s6;
	s9 =	sadd.s32 $0x14000, s6;
	[dreg:$0x5] =	wrdreg s23  }
0x12: {  	s10 =	sadd.s32 $0x18000, s6;
	s11 =	smax.u32 s0, $0x1;
	[dreg:$0x6] =	wrdreg s24  }
0x13: {  	s12 =	sadd.s32 $0x7A3600, s1;
	s13 =	sadd.s32 $0xCD600, s5;
	s21 =	simm.s32 $0x1C00  }
0x14: {  	s22 =	simm.s32 $0x200;
	s23 =	simm.s32 $0x2400;
	s24 =	sadd.s32 s26, s25  }
0x15: {  	v0 =	vimm.f32 $0.0e+00;
	s25 =	simm.s32 $0x280;
	s26 =	simm.s32 $0x2C00;
	s1 =	simm.s32 $0x0  }
.LBB2_1:
0x16: {  	s0 =	simm.s32 $0x40;
	s5 =	simm.s32 $0x0  }
.LBB2_2:
0x17: {  	p0 =	sne.s32 s0, $0xFFC0;
	[tilespmem:s5+$0x400] =	vst v0;
	s5 =	smov.u32 s0;
	s0 =	sadd.s32 $0x40, s0  }
.Ltmp0:
0x18: {  	(pc) =	sbr.rel @p0 .LBB2_2-.Ltmp0, $2  }
0x19: {  	_ =	sdelay $0x2  }
0x1a: {  	s5 =	sshra.s32 s5, $0x2  }
0x1b: {  	[tilespmem:s5+$0x400] =	vst v0  }
0x1c: {  	[spmem:s4] =	stream.linear.scatter [tilespmem:s14], [sflag:$0x1], $0x4000, $0x38;
	[tilespmem:$0x1D400] =	vst v63  }
0x1d: {  	_ =	swait.ge [sflag:s15], $0x4000  }
0x1e: {  	[sflag:s15] =	ssyncset.done $0x0  }
0x1f: {  	s0 =	rddreg [dreg:$0x3];
	[sflag:s15] =	ssyncadd.s32 $0xFFFFC000  }
0x20: {  	[spmem:s0] =	stream.linear.scatter [tilespmem:s14], [sflag:$0x1], $0x4000, $0x38;
	[tilespmem:$0x1D400] =	vst v63  }
0x21: {  	_ =	swait.ge [sflag:s15], $0x4000  }
0x22: {  	[sflag:s15] =	ssyncset.done $0x0  }
0x23: {  	s5 =	rddreg [dreg:$0x4];
	[sflag:s15] =	ssyncadd.s32 $0xFFFFC000  }
0x24: {  	[spmem:s5] =	stream.linear.scatter [tilespmem:s14], [sflag:$0x1], $0x4000, $0x38;
	[tilespmem:$0x1D400] =	vst v63  }
0x25: {  	_ =	swait.ge [sflag:s15], $0x4000  }
0x26: {  	[sflag:s15] =	ssyncset.done $0x0  }
0x27: {  	s6 =	rddreg [dreg:$0x5];
	[sflag:s15] =	ssyncadd.s32 $0xFFFFC000  }
0x28: {  	[spmem:s6] =	stream.linear.scatter [tilespmem:s14], [sflag:$0x1], $0x4000, $0x38;
	[tilespmem:$0x1D400] =	vst v63  }
0x29: {  	_ =	swait.ge [sflag:s15], $0x4000  }
0x2a: {  	[sflag:s15] =	ssyncset.done $0x0  }
0x2b: {  	s7 =	rddreg [dreg:$0x6];
	[sflag:s15] =	ssyncadd.s32 $0xFFFFC000  }
0x2c: {  	[spmem:s7] =	stream.linear.scatter [tilespmem:s14], [sflag:$0x1], $0x4000, $0x38;
	[tilespmem:$0x1D400] =	vst v63  }
0x2d: {  	_ =	swait.ge [sflag:s15], $0x4000  }
0x2e: {  	[sflag:s15] =	ssyncset.done $0x0  }
0x2f: {  	[sflag:s15] =	ssyncadd.s32 $0xFFFFC000  }
0x30: {  	[spmem:s9] =	stream.linear.scatter [tilespmem:s14], [sflag:$0x1], $0x4000, $0x38;
	[tilespmem:$0x1D400] =	vst v63  }
0x31: {  	_ =	swait.ge [sflag:s15], $0x4000  }
0x32: {  	[sflag:s15] =	ssyncset.done $0x0  }
0x33: {  	[sflag:s15] =	ssyncadd.s32 $0xFFFFC000  }
0x34: {  	[spmem:s10] =	stream.linear.scatter [tilespmem:s14], [sflag:$0x1], $0x1000, $0x38;
	[tilespmem:$0x1D400] =	vst v63  }
0x35: {  	_ =	swait.ge [sflag:s15], $0x1000  }
0x36: {  	[sflag:s15] =	ssyncset.done $0x0  }
0x37: {  	[sflag:s15] =	ssyncadd.s32 $0xFFFFF000  }
0x38: {  	s8 =	sadd.s32 $0x0, s13;
	[bflag:$0x0] =	sbarrier.arrive $0xFFFF  }
0x39: {  	[tilespmem:s3], [sflag:$0x1] =	stream.linear.gather [hbm4b:s8+s3], $0x400, $0x38;
	[tilespmem:$0x1D400] =	vst v63  }
0x3a: {  	_ =	swait.ge [sflag:s15], $0x400  }
0x3b: {  	[sflag:s15] =	ssyncset.done $0x0  }
0x3c: {  	[sflag:s15] =	ssyncadd.s32 $0xFFFFFC00  }
0x3d: {  	[tilespmem:s14], [sflag:$0x1] =	stream.linear.gather [hbm4b:s12+s3], $0x4000, $0x38;
	[tilespmem:$0x1D400] =	vst v63  }
0x3e: {  	_ =	swait.ge [sflag:s15], $0x4000  }
0x3f: {  	[sflag:s15] =	ssyncset.done $0x0  }
0x40: {  	[sflag:s15] =	ssyncadd.s32 $0xFFFFC000  }
0x41: {  	[spmem:s2] =	stream.indirect.scatter.add.f32 [tilespmem:s14], [sflag:$0x1], $0x10, s3, s16, $0xb8;
	[tilespmem:$0x1D400] =	vst v63  }
0x42: {  	_ =	swait.ge [sflag:s15], $0x800  }
0x43: {  	[sflag:s15] =	ssyncset.done $0x0  }
0x44: {  	[sflag:s15] =	ssyncadd.s32 $0xFFFFF800  }
0x45: {  	[spmem:s2] =	stream.indirect.scatter.add.f32 [tilespmem:s17], [sflag:$0x1], $0x10, s16, s16, $0xb8;
	[tilespmem:$0x1D400] =	vst v63  }
0x46: {  	_ =	swait.ge [sflag:s15], $0x800  }
0x47: {  	[sflag:s15] =	ssyncset.done $0x0  }
0x48: {  	[sflag:s15] =	ssyncadd.s32 $0xFFFFF800  }
0x49: {  	[spmem:s2] =	stream.indirect.scatter.add.f32 [tilespmem:s19], [sflag:$0x1], $0x10, s18, s16, $0xb8;
	[tilespmem:$0x1D400] =	vst v63  }
0x4a: {  	_ =	swait.ge [sflag:s15], $0x800  }
0x4b: {  	[sflag:s15] =	ssyncset.done $0x0  }
0x4c: {  	[sflag:s15] =	ssyncadd.s32 $0xFFFFF800  }
0x4d: {  	[spmem:s2] =	stream.indirect.scatter.add.f32 [tilespmem:s21], [sflag:$0x1], $0x10, s20, s16, $0xb8;
	[tilespmem:$0x1D400] =	vst v63  }
0x4e: {  	_ =	swait.ge [sflag:s15], $0x800  }
0x4f: {  	[sflag:s15] =	ssyncset.done $0x0  }
0x50: {  	[sflag:s15] =	ssyncadd.s32 $0xFFFFF800  }
0x51: {  	[spmem:s2] =	stream.indirect.scatter.add.f32 [tilespmem:s23], [sflag:$0x1], $0x10, s22, s16, $0xb8;
	[tilespmem:$0x1D400] =	vst v63  }
0x52: {  	_ =	swait.ge [sflag:s15], $0x800  }
0x53: {  	[sflag:s15] =	ssyncset.done $0x0  }
0x54: {  	[sflag:s15] =	ssyncadd.s32 $0xFFFFF800  }
0x55: {  	[spmem:s2] =	stream.indirect.scatter.add.f32 [tilespmem:s26], [sflag:$0x1], $0x10, s25, s16, $0xb8;
	[tilespmem:$0x1D400] =	vst v63  }
0x56: {  	_ =	swait.ge [sflag:s15], $0x800  }
0x57: {  	[sflag:s15] =	ssyncset.done $0x0  }
0x58: {  	[sflag:s15] =	ssyncadd.s32 $0xFFFFF800  }
0x59: {  	[spmem:s2] =	stream.indirect.scatter.add.f32 [tilespmem:s29], [sflag:$0x1], $0x10, s28, s16, $0xb8;
	[tilespmem:$0x1D400] =	vst v63  }
0x5a: {  	_ =	swait.ge [sflag:s15], $0x800  }
0x5b: {  	[sflag:s15] =	ssyncset.done $0x0  }
0x5c: {  	[sflag:s15] =	ssyncadd.s32 $0xFFFFF800  }
0x5d: {  	[spmem:s2] =	stream.indirect.scatter.add.f32 [tilespmem:s31], [sflag:$0x1], $0x10, s30, s16, $0xb8;
	[tilespmem:$0x1D400] =	vst v63  }
0x5e: {  	s0 =	sadd.s32 $0x800, s12;
	_ =	swait.ge [sflag:s15], $0x800  }
0x5f: {  	s5 =	simm.s32 $0x80;
	s6 =	simm.s32 $0x100;
	[sflag:s15] =	ssyncset.done $0x0  }
.LBB2_4:
0x60: {  	s8 =	sadd.s32 s5, s13  }
0x61: {  	[sflag:s15] =	ssyncadd.s32 $0xFFFFF800;
	s5 =	smov.u32 s6;
	s7 =	sadd.s32 $0x80, s6  }
0x62: {  	[tilespmem:s3], [sflag:$0x1] =	stream.linear.gather [hbm4b:s8+s3], $0x400, $0x38;
	[tilespmem:$0x1D400] =	vst v63  }
0x63: {  	p0 =	sne.s32 s6, $0x1880;
	_ =	swait.ge [sflag:s15], $0x400  }
0x64: {  	[sflag:s15] =	ssyncset.done $0x0  }
0x65: {  	[sflag:s15] =	ssyncadd.s32 $0xFFFFFC00  }
0x66: {  	[tilespmem:s14], [sflag:$0x1] =	stream.linear.gather [hbm4b:s0+s3], $0x4000, $0x38;
	[tilespmem:$0x1D400] =	vst v63  }
0x67: {  	_ =	swait.ge [sflag:s15], $0x4000  }
0x68: {  	[sflag:s15] =	ssyncset.done $0x0  }
0x69: {  	[sflag:s15] =	ssyncadd.s32 $0xFFFFC000  }
0x6a: {  	[spmem:s2] =	stream.indirect.scatter.add.f32 [tilespmem:s14], [sflag:$0x1], $0x10, s3, s16, $0xb8;
	[tilespmem:$0x1D400] =	vst v63  }
0x6b: {  	_ =	swait.ge [sflag:s15], $0x800  }
0x6c: {  	[sflag:s15] =	ssyncset.done $0x0  }
0x6d: {  	[sflag:s15] =	ssyncadd.s32 $0xFFFFF800  }
0x6e: {  	[spmem:s2] =	stream.indirect.scatter.add.f32 [tilespmem:s17], [sflag:$0x1], $0x10, s16, s16, $0xb8;
	[tilespmem:$0x1D400] =	vst v63  }
0x6f: {  	_ =	swait.ge [sflag:s15], $0x800  }
0x70: {  	[sflag:s15] =	ssyncset.done $0x0  }
0x71: {  	[sflag:s15] =	ssyncadd.s32 $0xFFFFF800  }
0x72: {  	[spmem:s2] =	stream.indirect.scatter.add.f32 [tilespmem:s19], [sflag:$0x1], $0x10, s18, s16, $0xb8;
	[tilespmem:$0x1D400] =	vst v63  }
0x73: {  	_ =	swait.ge [sflag:s15], $0x800  }
0x74: {  	[sflag:s15] =	ssyncset.done $0x0  }
0x75: {  	[sflag:s15] =	ssyncadd.s32 $0xFFFFF800  }
0x76: {  	[spmem:s2] =	stream.indirect.scatter.add.f32 [tilespmem:s21], [sflag:$0x1], $0x10, s20, s16, $0xb8;
	[tilespmem:$0x1D400] =	vst v63  }
0x77: {  	_ =	swait.ge [sflag:s15], $0x800  }
0x78: {  	[sflag:s15] =	ssyncset.done $0x0  }
0x79: {  	[sflag:s15] =	ssyncadd.s32 $0xFFFFF800  }
0x7a: {  	[spmem:s2] =	stream.indirect.scatter.add.f32 [tilespmem:s23], [sflag:$0x1], $0x10, s22, s16, $0xb8;
	[tilespmem:$0x1D400] =	vst v63  }
0x7b: {  	_ =	swait.ge [sflag:s15], $0x800  }
0x7c: {  	[sflag:s15] =	ssyncset.done $0x0  }
0x7d: {  	[sflag:s15] =	ssyncadd.s32 $0xFFFFF800  }
0x7e: {  	[spmem:s2] =	stream.indirect.scatter.add.f32 [tilespmem:s26], [sflag:$0x1], $0x10, s25, s16, $0xb8;
	[tilespmem:$0x1D400] =	vst v63  }
0x7f: {  	_ =	swait.ge [sflag:s15], $0x800  }
0x80: {  	[sflag:s15] =	ssyncset.done $0x0  }
0x81: {  	[sflag:s15] =	ssyncadd.s32 $0xFFFFF800  }
0x82: {  	[spmem:s2] =	stream.indirect.scatter.add.f32 [tilespmem:s29], [sflag:$0x1], $0x10, s28, s16, $0xb8;
	[tilespmem:$0x1D400] =	vst v63  }
0x83: {  	_ =	swait.ge [sflag:s15], $0x800  }
.Ltmp1:
0x84: {  	[sflag:s15] =	ssyncset.done $0x0;
	(pc) =	sbr.rel @p0 .LBB2_4-.Ltmp1, $4  }
0x85: {  	[sflag:s15] =	ssyncadd.s32 $0xFFFFF800  }
0x86: {  	[spmem:s2] =	stream.indirect.scatter.add.f32 [tilespmem:s31], [sflag:$0x1], $0x10, s30, s16, $0xb8;
	[tilespmem:$0x1D400] =	vst v63  }
0x87: {  	_ =	swait.ge [sflag:s15], $0x800  }
0x88: {  	s6 =	smov.u32 s7;
	s0 =	sadd.s32 $0x800, s0;
	[sflag:s15] =	ssyncset.done $0x0  }
0x89: {  	s5 =	sadd.s32 s5, s13;
	[sflag:s15] =	ssyncadd.s32 $0xFFFFF800  }
0x8a: {  	[tilespmem:s3], [sflag:$0x1] =	stream.linear.gather [hbm4b:s5+s3], $0x400, $0x38;
	[tilespmem:$0x1D400] =	vst v63  }
0x8b: {  	_ =	swait.ge [sflag:s15], $0x400  }
0x8c: {  	[sflag:s15] =	ssyncset.done $0x0  }
0x8d: {  	[sflag:s15] =	ssyncadd.s32 $0xFFFFFC00  }
0x8e: {  	[tilespmem:s14], [sflag:$0x1] =	stream.linear.gather [hbm4b:s0+s3], $0x4000, $0x38;
	[tilespmem:$0x1D400] =	vst v63  }
0x8f: {  	_ =	swait.ge [sflag:s15], $0x4000  }
0x90: {  	[sflag:s15] =	ssyncset.done $0x0  }
0x91: {  	[sflag:s15] =	ssyncadd.s32 $0xFFFFC000  }
0x92: {  	[spmem:s2] =	stream.indirect.scatter.add.f32 [tilespmem:s14], [sflag:$0x1], $0x10, s3, s16, $0xb8;
	[tilespmem:$0x1D400] =	vst v63  }
0x93: {  	_ =	swait.ge [sflag:s15], $0x800  }
0x94: {  	[sflag:s15] =	ssyncset.done $0x0  }
0x95: {  	[sflag:s15] =	ssyncadd.s32 $0xFFFFF800  }
0x96: {  	[spmem:s2] =	stream.indirect.scatter.add.f32 [tilespmem:s17], [sflag:$0x1], $0x10, s16, s16, $0xb8;
	[tilespmem:$0x1D400] =	vst v63  }
0x97: {  	_ =	swait.ge [sflag:s15], $0x800  }
0x98: {  	[sflag:s15] =	ssyncset.done $0x0  }
0x99: {  	[sflag:s15] =	ssyncadd.s32 $0xFFFFF800  }
0x9a: {  	[spmem:s2] =	stream.indirect.scatter.add.f32 [tilespmem:s19], [sflag:$0x1], $0x10, s18, s16, $0xb8;
	[tilespmem:$0x1D400] =	vst v63  }
0x9b: {  	_ =	swait.ge [sflag:s15], $0x800  }
0x9c: {  	[sflag:s15] =	ssyncset.done $0x0  }
0x9d: {  	[sflag:s15] =	ssyncadd.s32 $0xFFFFF800  }
0x9e: {  	[spmem:s2] =	stream.indirect.scatter.add.f32 [tilespmem:s21], [sflag:$0x1], $0x10, s20, s16, $0xb8;
	[tilespmem:$0x1D400] =	vst v63  }
0x9f: {  	_ =	swait.ge [sflag:s15], $0x800  }
0xa0: {  	[sflag:s15] =	ssyncset.done $0x0  }
0xa1: {  	[sflag:s15] =	ssyncadd.s32 $0xFFFFF800  }
0xa2: {  	[spmem:s2] =	stream.indirect.scatter.add.f32 [tilespmem:s23], [sflag:$0x1], $0x10, s22, s16, $0xb8;
	[tilespmem:$0x1D400] =	vst v63  }
0xa3: {  	_ =	swait.ge [sflag:s15], $0x800  }
0xa4: {  	[sflag:s15] =	ssyncset.done $0x0  }
0xa5: {  	[sflag:s15] =	ssyncadd.s32 $0xFFFFF800  }
0xa6: {  	[spmem:s2] =	stream.indirect.scatter.add.f32 [tilespmem:s26], [sflag:$0x1], $0x10, s25, s16, $0xb8;
	[tilespmem:$0x1D400] =	vst v63  }
0xa7: {  	_ =	swait.ge [sflag:s15], $0x800  }
0xa8: {  	[sflag:s15] =	ssyncset.done $0x0  }
0xa9: {  	[sflag:s15] =	ssyncadd.s32 $0xFFFFF800  }
0xaa: {  	[spmem:s2] =	stream.indirect.scatter.add.f32 [tilespmem:s29], [sflag:$0x1], $0x10, s28, s16, $0xb8;
	[tilespmem:$0x1D400] =	vst v63  }
0xab: {  	_ =	swait.ge [sflag:s15], $0x800  }
0xac: {  	[sflag:s15] =	ssyncset.done $0x0  }
0xad: {  	[sflag:s15] =	ssyncadd.s32 $0xFFFFF800  }
0xae: {  	[spmem:s2] =	stream.indirect.scatter.add.f32 [tilespmem:s31], [sflag:$0x1], $0x10, s30, s16, $0xb8;
	[tilespmem:$0x1D400] =	vst v63  }
0xaf: {  	s7 =	stileid.u32;
	_ =	swait.ge [sflag:s15], $0x800  }
0xb0: {  	s8 =	sshrl.u32 s4, $0x3;
	s1 =	sadd.s32 $0x1, s1;
	[sflag:s15] =	ssyncset.done $0x0  }
0xb1: {  	p0 =	sne.s32 s1, s11;
	s0 =	sshll.u32 s7, $0x6;
	[sflag:s15] =	ssyncadd.s32 $0xFFFFF800  }
.Ltmp2:
0xb2: {  	s0 =	sor.u32 $0x1C01, s0;
	[bflag:$0x0] =	sbarrier.arrive $0xFFFF;
	(pc) =	sbr.rel @p0 .LBB2_1-.Ltmp2, $4  }
0xb3: {  	[hbm:s24], [sflag:s0] =	dma.local [spmem:s8], $0x3200  }
0xb4: {  	_ =	swait.ge [sflag:s15], $0x3200  }
0xb5: {  	[sflag:s15] =	ssyncset.done $0x0  }
0xb6: {  	[sflag:s15] =	ssyncadd.s32 $0xFFFFCE00  }
0xb7: {  	_ =	sfence.sel $0x180000  }
0xb8: {  	[bflag:$0x0] =	sbarrier.arrive $0xFFFF  }
0xb9: {  	_ =	strace $0x9000004A  }
0xba: {  	s0 =	stileid.u32;
	[bflag:$0x2] =	sbarrier.arrive $0xFFFF  }
0xbb: {  	p0 =	sne.s32 s0, $0x0;
	s0 =	rddreg [dreg:$0x2]  }
0xbc: {  	s0 =	sadd.s32 @!p0 $0x100000, s0  }
0xbd: {  	[sflag:s0] =	ssyncadd.tile.s32 @!p0 $0x1;
	_ =	shalt  }
.Lfunc_end2:
_tile_overlayer_lowered:
.L_overlay_start_2:
0xbe: {  	(tag) =	ssettag $0x2  }
0xbf: {  	s0 =	rddreg [dreg:$0x0];
	s2 =	stileid.u32  }
0xc0: {  	s1 =	rddreg [dreg:$0x1];
	p0 =	sne.s32 s2, $0x0  }
0xc1: {  	s3 =	rddreg [dreg:$0x2];
	[bflag:$0x3] =	sbarrier.arrive $0xFFFF;
	s2 =	simm.s32 @!p0 $0x1C01  }
0xc2: {  	[timem:s3], [sflag:s2] =	dma.local @!p0 [hbm:s0], s1  }
0xc3: {  	s0 =	simm.s32 @!p0 $0x1  }
0xc4: {  	_ =	swait.ge @!p0 [sflag:s0], s1  }
0xc5: {  	s1 =	ssub.s32 @!p0 $0x0, s1;
	[sflag:s0] =	ssyncset.done @!p0 $0x0  }
0xc6: {  	[sflag:s0] =	ssyncadd.s32 @!p0 s1  }
0xc7: {  	[bflag:$0x3] =	sbarrier.arrive $0xFFFF  }
0xc8: {  	_ =	shalt  }

// kernel: kernel.7.cloned.1.call-start
scs
__scs_entry_jumppad:
0x0: {  	(pc) =	sbr.rel $0x88, $3  }
0x1: {  	(tag) =	ssettag $0x0;
	lr =	simm.s32 $0x1  }
0x2: {  	[smem:$0x3F79] =	sst lr;
	_ =	strace $0xD0000000  }
0x3: {  	_ = 	snop  }
0x4: {  	_ = 	snop  }
0x5: {  	_ = 	snop  }
0x6: {  	_ = 	snop  }
0x7: {  	_ = 	snop  }
__scs_overlays_trampoline_lowered:
0x8: {  	[smem:$0x3F88] =	sst s0  }
0x9: {  	[smem:$0x3F89] =	sst s1  }
0xa: {  	[smem:$0x3F8A] =	sst s2  }
0xb: {  	[smem:$0x3F8B] =	sst s3  }
0xc: {  	[smem:$0x3F8C] =	sst s4  }
0xd: {  	[smem:$0x3F8D] =	sst s5  }
0xe: {  	[smem:$0x3F8E] =	sst s6  }
0xf: {  	[smem:$0x3F8F] =	sst s7  }
0x10: {  	[smem:$0x3F90] =	sst s8  }
0x11: {  	[smem:$0x3F91] =	sst s9;
	s0 =	simm.s32 @!p0 $0x0  }
0x12: {  	s1 =	sld [smem:$0x3F77];
	s0 =	simm.s32 @p0 $0x1  }
0x13: {  	[smem:$0x3F92] =	sst s0;
	s0 =	simm.s32 @!p1 $0x0  }
0x14: {  	s2 =	sld [smem:$0x3F76];
	s0 =	simm.s32 @p1 $0x1  }
0x15: {  	[smem:$0x3F93] =	sst s0;
	s0 =	simm.s32 @!p2 $0x0  }
0x16: {  	s3 =	sld [smem:$0x3FDB];
	s0 =	simm.s32 @p2 $0x1  }
0x17: {  	s4 =	simm.s32 $0x1BF5;
	[smem:$0x3F95] =	sst s0  }
0x18: {  	s0 =	sld [smem:$0x3F78];
	_ =	swait.ge [sflag:s4], $0x0  }
0x19: {  	s7 =	sld [smem:$0x3F79]  }
0x1a: {  	s8 =	sadd.s32 $0xFFFFE003, lr  }
0x1b: {  	s9 =	sadd.s32 $0xFFFFFEF7, lr;
	s5 =	simm.s32 $0xFFFFFFFF;
	p2 =	slt.u32 s8, $0xFFFFF086  }
0x1c: {  	p1 =	slt.u32 s9, $0xF7A;
	s5 =	simm.s32 @!p2 $0x0  }
0x1d: {  	s5 =	simm.s32 @p1 $0x1;
	p0 =	seq.s32 s7, s2  }
0x1e: {  	s7 =	smul.u32 @!p0 $0xF7A, s2;
	p2 =	seq.s32 @!p0 s5, $0x0  }
0x1f: {  	s9 =	smul.u32 $0xF7A, s1;
	s8 =	simm.s32 @!p0 $0x1BF5;
	p2 =	por !p2, p0  }
0x20: {  	[sflag:s8] =	ssyncset.s32 @!p0 $0xFFFFF086;
	s6 =	sadd.s32 @!p0 s3, s7;
	s7 =	simm.s32 @!p0 $0x108  }
0x21: {  	s3 =	sadd.s32 s3, s9;
	s6 =	sadd.s32 @!p0 $0x88, s6;
	s7 =	simm.s32 @p2 $0x1082  }
0x22: {  	[simem:s7], [sflag:s8] =	dma.local @!p0 [hbm:s6], $0xF7A  }
0x23: {  	s9 =	sor.u32 $0xD0000000, s2;
	s6 =	simm.s32 $0x108;
	_ =	swait.ge @!p0 [sflag:s8], $0x0  }
0x24: {  	s3 =	sadd.s32 $0x88, s3;
	s6 =	simm.s32 @!p1 $0x1082;
	[sflag:s4] =	ssyncset.s32 $0xFFFFF086  }
0x25: {  	[simem:s6], [sflag:s4] =	dma.local [hbm:s3], $0xF7A  }
0x26: {  	[smem:$0x3F79] =	sst s1;
	(tag) =	ssettag s2;
	_ =	strace s9  }
0x27: {  	s1 =	sld [smem:$0x3F89]  }
0x28: {  	s2 =	sld [smem:$0x3F8A]  }
0x29: {  	s4 =	sld [smem:$0x3F8C]  }
0x2a: {  	p0 =	seq.s32 s5, $0x0;
	s5 =	sld [smem:$0x3F8D]  }
0x2b: {  	s6 =	sld [smem:$0x3F8E]  }
0x2c: {  	s7 =	sld [smem:$0x3F8F]  }
0x2d: {  	s3 =	simm.s32 $0x108;
	s8 =	sld [smem:$0x3F90]  }
0x2e: {  	s3 =	simm.s32 @!p0 $0x1082;
	s9 =	sld [smem:$0x3F91]  }
0x2f: {  	lr =	sadd.s32 s0, s3;
	s0 =	sld [smem:$0x3F88]  }
0x30: {  	s3 =	sld [smem:$0x3F8B]  }
0x31: {  	[smem:$0x3F94] =	sst s10  }
0x32: {  	s10 =	sld [smem:$0x3F92];
	_ =	sdelay $0x3  }
0x33: {  	p0 =	seq.s32 s10, $0x1;
	s10 =	sld [smem:$0x3F94];
	_ =	sdelay $0x3  }
0x34: {  	[smem:$0x3F94] =	sst s10  }
0x35: {  	s10 =	sld [smem:$0x3F93];
	_ =	sdelay $0x3  }
0x36: {  	p1 =	seq.s32 s10, $0x1;
	s10 =	sld [smem:$0x3F94];
	_ =	sdelay $0x3  }
0x37: {  	[smem:$0x3F94] =	sst s10  }
0x38: {  	s10 =	sld [smem:$0x3F95]  }
0x39: {  	_ = 	snop;
	(pc) =	sbr.ind lr, $3  }
0x3a: {  	_ = 	snop  }
0x3b: {  	_ = 	snop  }
0x3c: {  	p2 =	seq.s32 s10, $0x1;
	s10 =	sld [smem:$0x3F94]  }
0x3d: {  	_ =	shalt  }
0x3e: {  	_ =	shalt  }
0x3f: {  	_ =	shalt  }
0x40: {  	_ =	shalt  }
0x41: {  	_ =	shalt  }
0x42: {  	_ =	shalt  }
0x43: {  	_ =	shalt  }
0x44: {  	_ =	shalt  }
0x45: {  	_ =	shalt  }
0x46: {  	_ =	shalt  }
0x47: {  	_ =	shalt  }
0x48: {  	_ =	shalt  }
0x49: {  	_ =	shalt  }
0x4a: {  	_ =	shalt  }
0x4b: {  	_ =	shalt  }
0x4c: {  	_ =	shalt  }
0x4d: {  	_ =	shalt  }
0x4e: {  	_ =	shalt  }
0x4f: {  	_ =	shalt  }
0x50: {  	_ =	shalt  }
0x51: {  	_ =	shalt  }
0x52: {  	_ =	shalt  }
0x53: {  	_ =	shalt  }
0x54: {  	_ =	shalt  }
0x55: {  	_ =	shalt  }
0x56: {  	_ =	shalt  }
0x57: {  	_ =	shalt  }
0x58: {  	_ =	shalt  }
0x59: {  	_ =	shalt  }
0x5a: {  	_ =	shalt  }
0x5b: {  	_ =	shalt  }
0x5c: {  	_ =	shalt  }
0x5d: {  	_ =	shalt  }
0x5e: {  	_ =	shalt  }
0x5f: {  	_ =	shalt  }
0x60: {  	_ =	shalt  }
0x61: {  	_ =	shalt  }
0x62: {  	_ =	shalt  }
0x63: {  	_ =	shalt  }
0x64: {  	_ =	shalt  }
0x65: {  	_ =	shalt  }
0x66: {  	_ =	shalt  }
0x67: {  	_ =	shalt  }
0x68: {  	_ =	shalt  }
0x69: {  	_ =	shalt  }
0x6a: {  	_ =	shalt  }
0x6b: {  	_ =	shalt  }
0x6c: {  	_ =	shalt  }
0x6d: {  	_ =	shalt  }
0x6e: {  	_ =	shalt  }
0x6f: {  	_ =	shalt  }
0x70: {  	_ =	shalt  }
0x71: {  	_ =	shalt  }
0x72: {  	_ =	shalt  }
0x73: {  	_ =	shalt  }
0x74: {  	_ =	shalt  }
0x75: {  	_ =	shalt  }
0x76: {  	_ =	shalt  }
0x77: {  	_ =	shalt  }
0x78: {  	_ =	shalt  }
0x79: {  	_ =	shalt  }
0x7a: {  	_ =	shalt  }
0x7b: {  	_ =	shalt  }
0x7c: {  	_ =	shalt  }
0x7d: {  	_ =	shalt  }
0x7e: {  	_ =	shalt  }
0x7f: {  	_ =	shalt  }
0x80: {  	_ =	shalt  }
0x81: {  	_ =	shalt  }
0x82: {  	_ =	shalt  }
0x83: {  	_ =	shalt  }
0x84: {  	_ =	shalt  }
0x85: {  	_ =	shalt  }
0x86: {  	_ =	shalt  }
0x87: {  	_ =	shalt  }
.Lfunc_end0:
.L_simem_size_0:
called_computation_lowered:
.L_overlay_start_0:
0x88: {  	s2 =	sld [smem:$0x3FD9]  }
0x89: {  	s3 =	sld [smem:$0x3FFE];
	_ =	sdelay $0x1  }
0x8a: {  	s1 =	srdreg.scid  }
0x8b: {  	s0 =	sand.u32 $0x1, s1  }
0x8c: {  	s16 =	sshll.u32 s0, $0xA;
	s2 =	sadd.s32 s3, s2  }
0x8d: {  	s2 =	sadd.s32 s2, s16  }
0x8e: {  	[smem:$0x3FA0] =	sst s2  }
0x8f: {  	_ = 	snop  }
0x90: {  	(tm) =	ssettm $0x1  }
0x91: {  	s17 =	sld [smem:$0x3FFB];
	_ =	sdelay $0x3  }
0x92: {  	_ =	strace s17  }
0x93: {  	s2 =	sld [smem:$0x3FFC];
	_ =	sdelay $0x3  }
0x94: {  	_ =	strace s2  }
0x95: {  	s2 =	sld [smem:$0x3FFD];
	_ =	sdelay $0x3  }
0x96: {  	_ =	strace s2  }
0x97: {  	_ =	strace $0x8FFFFFFF  }
0x98: {  	s18 =	sld [smem:$0x3FDB];
	_ =	sdelay $0x1  }
0x99: {  	s19 =	simm.s32 $_scs_section_size  }
0x9a: {  	s4 =	simm.s32 $_size__tile_overlayer_lowered;
	s5 =	simm.s32 $_tile_overlayer_lowered  }
0x9b: {  	s22 =	simm.s32 $0x1BFF;
	s21 =	sshll.u32 s5, $0x1;
	s2 =	sadd.s32 s19, s18  }
0x9c: {  	s6 =	simm.s32 $0x0;
	s20 =	sshll.u32 s4, $0x1;
	s4 =	sadd.s32 s21, s2  }
0x9d: {  	[timem:s6], [sflag:s22] =	dma.local [hbm:s4], s20  }
0x9e: {  	_ =	swait.ge [sflag:s22], s20  }
0x9f: {  	s3 =	ssub.s32 $0x0, s20;
	[sflag:s22] =	ssyncset.done $0x0  }
0xa0: {  	[sflag:s22] =	ssyncadd.s32 s3;
	_ =	sdelay $0x1  }
0xa1: {  	s23 =	simm.s32 $0x1B8B  }
0xa2: {  	_ =	swait.ge [sflag:s23], $0x1  }
0xa3: {  	[sflag:s23] =	ssyncset.done $0x0  }
0xa4: {  	s25 =	simm.s32 $0x1B8E;
	s24 =	sld [smem:$0x3FFE];
	[sflag:s23] =	ssyncadd.s32 $0xFFFFFFFF  }
0xa5: {  	s26 =	simm.s32 $execute0_lowered;
	[smem:$0x3FD2] =	sst s25  }
0xa6: {  	s4 =	sshll.u32 s26, $0x1;
	_ =	strace $0x80000046;
	[dreg:$0x1] =	wrdreg $0xFFFFFFFF  }
0xa7: {  	s28 =	simm.s32 $_size_execute0_lowered;
	s2 =	sadd.s32 s2, s4;
	[dreg:$0x0] =	wrdreg $0x0  }
0xa8: {  	s4 =	sshll.u32 s28, $0x1;
	[dreg:$0x2] =	wrdreg s2  }
0xa9: {  	[dreg:$0x3] =	wrdreg s4  }
0xaa: {  	[dreg:$0x4] =	wrdreg $0xC0  }
0xab: {  	_ =	task [dreg:s6], $0x5FFFF  }
0xac: {  	[dreg:$0x1] =	wrdreg $0xFFFFFFFF  }
0xad: {  	[dreg:$0x0] =	wrdreg $0x60  }
0xae: {  	[dreg:$0x2] =	wrdreg s24  }
0xaf: {  	[dreg:$0x3] =	wrdreg $0x9  }
0xb0: {  	_ =	task.clear_ibuf [dreg:s6], $0x4FFFF;
	_ =	strace $0x90000046  }
0xb1: {  	s29 =	simm.s32 $0x9;
	_ =	strace $0x80000048  }
0xb2: {  	_ =	swait.ge [sflag:s29], $0x1  }
0xb3: {  	[sflag:s29] =	ssyncadd.s32 $0xFFFFFFFF  }
0xb4: {  	_ =	strace $0x90000048  }
0xb5: {  	_ =	sfence  }
0xb6: {  	s30 =	sld [smem:$0x0];
	_ =	sdelay $0x2  }
0xb7: {  	s31 =	sshll.u32 s1, $0xD;
	s1 =	sshrl.u32 s1, $0x2  }
0xb8: {  	s3 =	sand.u32 $0x4000, s31;
	s1 =	sadd.s32 s1, s30  }
0xb9: {  	s0 =	sor.u32 s3, s0;
	s1 =	sshll.u32 s1, $0x11  }
0xba: {  	s0 =	sor.u32 s1, s0  }
0xbb: {  	s0 =	sadd.s32 $0x8F2B, s0  }
0xbc: {  	[sflag:s0] =	ssyncadd.remote.s32 $0x1  }
0xbd: {  	_ =	sfence.sel $0xFFFF  }
0xbe: {  	[dreg:$0x0] =	wrdreg $0xFFFFFFFF;
	(pc) =	sbr.abs _section_cstart, $3  }
0xbf: {  	[dreg:$0x1] =	wrdreg $0xFFFFFFFF  }
0xc0: {  	_ =	task.clear_ibuf [dreg:s6], $0x2FFFF;
	_ =	strace $0x9FFFFFFF  }
0xc1: {  	(tm) =	ssettm $0x7FFFFFFF  }
tec
execute0_lowered:
.L_overlay_start_1:
0x0: {  	(tag) =	ssettag $0x1  }
0x1: {  	s0 =	srdreg.scid  }
0x2: {  	s4 =	stileid.u32;
	s5 =	rddreg [dreg:$0x0];
	s2 =	simm.s32 $0x0  }
0x3: {  	s14 =	simm.s32 $0x1000;
	s15 =	simm.s32 $0x480;
	[smem:$0x7FF] =	sst s2  }
0x4: {  	s16 =	simm.s32 $0x5000;
	_ =	strace $0x80000047;
	[dreg:$0x4] =	wrdreg s14  }
0x5: {  	s17 =	simm.s32 $0x100;
	s19 =	simm.s32 $0x1800;
	[dreg:$0x5] =	wrdreg s15  }
0x6: {  	s20 =	simm.s32 $0x500;
	s21 =	simm.s32 $0x5800;
	[dreg:$0x6] =	wrdreg s16  }
0x7: {  	s23 =	simm.s32 $0x180;
	s25 =	simm.s32 $0x2000;
	[dreg:$0x7] =	wrdreg s17  }
0x8: {  	s26 =	simm.s32 $0x580;
	s9 =	simm.s32 $0x400;
	[dreg:$0x8] =	wrdreg s19  }
0x9: {  	s29 =	simm.s32 $0x6000;
	s10 =	simm.s32 $0x80;
	[dreg:$0x9] =	wrdreg s20  }
0xa: {  	s30 =	simm.s32 $0x200;
	s11 =	simm.s32 $0x800;
	[dreg:$0xa] =	wrdreg s21  }
0xb: {  	s31 =	simm.s32 $0x2800;
	s12 =	simm.s32 $0x4800;
	[dreg:$0xb] =	wrdreg s23  }
0xc: {  	s13 =	simm.s32 $0x280;
	s3 =	smul.u32 $0xC800, s4;
	[dreg:$0xc] =	wrdreg s25  }
0xd: {  	s0 =	sand.u32 $0x1, s0;
	s7 =	smul.u32 $0xC8000, s4;
	[dreg:$0xd] =	wrdreg s26  }
0xe: {  	s28 =	simm.s32 $0x1;
	s1 =	smul.u32 $0xC8000, s0;
	[dreg:$0xe] =	wrdreg s29  }
0xf: {  	s4 =	sadd.s32 $0x131600, s5;
	s6 =	smul.u32 $0xC80000, s0;
	[dreg:$0xf] =	wrdreg s30  }
0x10: {  	s0 =	ssub.s32 $0x2, s0;
	[dreg:$0x10] =	wrdreg s31;
	s14 =	simm.s32 $0x3000  }
0x11: {  	s17 =	simm.s32 $0x680;
	s19 =	simm.s32 $0x300;
	s20 =	simm.s32 $0x3800  }
0x12: {  	s21 =	simm.s32 $0x700;
	s23 =	simm.s32 $0x380;
	s25 =	simm.s32 $0x780  }
0x13: {  	s26 =	simm.s32 $0x8000;
	s18 =	sshrl.u32 s0, $0x1;
	s1 =	sadd.s32 s3, s1  }
0x14: {  	s3 =	sadd.s32 $0xFF600, s5;
	s0 =	ssub.s32 s0, s18;
	s1 =	sshrl.u32 s1, $0x3  }
0x15: {  	s6 =	sadd.s32 s7, s6;
	s0 =	smax.u32 s0, $0x1;
	s1 =	sadd.s32 s1, s5  }
0x16: {  	s6 =	sshrl.u32 s6, $0x3;
	[dreg:$0x11] =	wrdreg s0;
	s8 =	sadd.s32 $0x9B600, s1  }
0x17: {  	s6 =	sadd.s32 s6, s5;
	s1 =	sadd.s32 $0x69600, s1;
	[dreg:$0x2] =	wrdreg s8  }
0x18: {  	s18 =	simm.s32 $0x7000;
	s22 =	sadd.s32 $0x483600, s6;
	[dreg:$0x3] =	wrdreg s1  }
0x19: {  	s5 =	simm.s32 $0x6800;
	s24 =	sadd.s32 $0x163600, s6;
	[dreg:$0x12] =	wrdreg s22  }
0x1a: {  	s6 =	simm.s32 $0x0;
	[dreg:$0x13] =	wrdreg s24;
	s8 =	simm.s32 $0x2  }
0x1b: {  	s1 =	simm.s32 $0x600;
	s22 =	simm.s32 $0x7800;
	s24 =	simm.s32 $0x4000  }
.LBB2_1:
0x1c: {  	s7 =	rddreg [dreg:$0x3]  }
0x1d: {  	[dreg:$0x14] =	wrdreg s6;
	s6 =	sadd.s32 $0x0, s7  }
0x1e: {  	[tilespmem:s2], [sflag:$0x2] =	stream.linear.gather [hbm4b:s6+s2], $0x400, $0x38;
	[tilespmem:$0x8800] =	vst v63  }
0x1f: {  	_ =	swait.ge [sflag:s8], $0x400  }
0x20: {  	s15 =	rddreg [dreg:$0x2];
	[sflag:s8] =	ssyncset.done $0x0  }
0x21: {  	[sflag:s8] =	ssyncadd.s32 $0xFFFFFC00;
	s6 =	sadd.s32 $0x0, s15  }
0x22: {  	[tilespmem:s9], [sflag:$0x2] =	stream.linear.gather [hbm4b:s6+s2], $0x400, $0x38;
	[tilespmem:$0x8800] =	vst v63  }
0x23: {  	_ =	swait.ge [sflag:s8], $0x400  }
0x24: {  	s16 =	rddreg [dreg:$0x4]  }
0x25: {  	s7 =	rddreg [dreg:$0x6]  }
0x26: {  	s30 =	rddreg [dreg:$0x8]  }
0x27: {  	[sflag:s8] =	ssyncset.done $0x0;
	s31 =	rddreg [dreg:$0x5]  }
0x28: {  	s29 =	rddreg [dreg:$0x7];
	[sflag:s8] =	ssyncadd.s32 $0xFFFFFC00  }
0x29: {  	[tilespmem:s11], [sflag:$0x1] =	stream.indirect.gather [hbm4b:s3+s10], $0x10, s2, s10, $0xb8;
	[tilespmem:$0x8800] =	vst v63  }
0x2a: {  	s0 =	rddreg [dreg:$0xa]  }
0x2b: {  	[tilespmem:s12], [sflag:$0x1] =	stream.indirect.gather [hbm4b:s4+s10], $0x10, s9, s10, $0xb8;
	[tilespmem:$0x8800] =	vst v63  }
0x2c: {  	s15 =	rddreg [dreg:$0xc]  }
0x2d: {  	[tilespmem:s16], [sflag:$0x1] =	stream.indirect.gather [hbm4b:s3+s10], $0x10, s10, s10, $0xb8;
	[tilespmem:$0x8800] =	vst v63  }
0x2e: {  	s16 =	rddreg [dreg:$0xe]  }
0x2f: {  	[tilespmem:s7], [sflag:$0x1] =	stream.indirect.gather [hbm4b:s4+s10], $0x10, s31, s10, $0xb8;
	[tilespmem:$0x8800] =	vst v63  }
0x30: {  	s31 =	rddreg [dreg:$0x9]  }
0x31: {  	[tilespmem:s30], [sflag:$0x1] =	stream.indirect.gather [hbm4b:s3+s10], $0x10, s29, s10, $0xb8;
	[tilespmem:$0x8800] =	vst v63  }
0x32: {  	s30 =	rddreg [dreg:$0xb]  }
0x33: {  	[tilespmem:s0], [sflag:$0x1] =	stream.indirect.gather [hbm4b:s4+s10], $0x10, s31, s10, $0xb8;
	[tilespmem:$0x8800] =	vst v63  }
0x34: {  	s29 =	rddreg [dreg:$0x10]  }
0x35: {  	[tilespmem:s15], [sflag:$0x1] =	stream.indirect.gather [hbm4b:s3+s10], $0x10, s30, s10, $0xb8;
	[tilespmem:$0x8800] =	vst v63  }
0x36: {  	s31 =	rddreg [dreg:$0xd]  }
0x37: {  	[tilespmem:s16], [sflag:$0x1] =	stream.indirect.gather [hbm4b:s4+s10], $0x10, s31, s10, $0xb8;
	[tilespmem:$0x8800] =	vst v63  }
0x38: {  	s30 =	rddreg [dreg:$0xf]  }
0x39: {  	[tilespmem:s29], [sflag:$0x1] =	stream.indirect.gather [hbm4b:s3+s10], $0x10, s30, s10, $0xb8;
	[tilespmem:$0x8800] =	vst v63  }
0x3a: {  	_ = 	snop  }
0x3b: {  	[tilespmem:s5], [sflag:$0x1] =	stream.indirect.gather [hbm4b:s4+s10], $0x10, s1, s10, $0xb8;
	[tilespmem:$0x8800] =	vst v63  }
0x3c: {  	_ = 	snop  }
0x3d: {  	[tilespmem:s14], [sflag:$0x1] =	stream.indirect.gather [hbm4b:s3+s10], $0x10, s13, s10, $0xb8;
	[tilespmem:$0x8800] =	vst v63  }
0x3e: {  	_ = 	snop  }
0x3f: {  	[tilespmem:s18], [sflag:$0x1] =	stream.indirect.gather [hbm4b:s4+s10], $0x10, s17, s10, $0xb8;
	[tilespmem:$0x8800] =	vst v63  }
0x40: {  	_ = 	snop  }
0x41: {  	[tilespmem:s20], [sflag:$0x1] =	stream.indirect.gather [hbm4b:s3+s10], $0x10, s19, s10, $0xb8;
	[tilespmem:$0x8800] =	vst v63  }
0x42: {  	_ = 	snop  }
0x43: {  	[tilespmem:s22], [sflag:$0x1] =	stream.indirect.gather [hbm4b:s4+s10], $0x10, s21, s10, $0xb8;
	[tilespmem:$0x8800] =	vst v63  }
0x44: {  	_ = 	snop  }
0x45: {  	[tilespmem:s24], [sflag:$0x1] =	stream.indirect.gather [hbm4b:s3+s10], $0x10, s23, s10, $0xb8;
	[tilespmem:$0x8800] =	vst v63  }
0x46: {  	_ = 	snop  }
0x47: {  	[tilespmem:s26], [sflag:$0x1] =	stream.indirect.gather [hbm4b:s4+s10], $0x10, s25, s10, $0xb8;
	[tilespmem:$0x8800] =	vst v63  }
0x48: {  	_ =	swait.ge [sflag:s28], $0x800  }
0x49: {  	[sflag:s28] =	ssyncset.done $0x0  }
0x4a: {  	[sflag:s28] =	ssyncadd.s32 $0xFFFFF800  }
0x4b: {  	_ =	swait.ge [sflag:s28], $0x800  }
0x4c: {  	[sflag:s28] =	ssyncset.done $0x0  }
0x4d: {  	[sflag:s28] =	ssyncadd.s32 $0xFFFFF800  }
0x4e: {  	_ =	swait.ge [sflag:s28], $0x800  }
0x4f: {  	[sflag:s28] =	ssyncset.done $0x0  }
0x50: {  	[sflag:s28] =	ssyncadd.s32 $0xFFFFF800  }
0x51: {  	_ =	swait.ge [sflag:s28], $0x800  }
0x52: {  	[sflag:s28] =	ssyncset.done $0x0  }
0x53: {  	[sflag:s28] =	ssyncadd.s32 $0xFFFFF800  }
0x54: {  	_ =	swait.ge [sflag:s28], $0x800  }
0x55: {  	[sflag:s28] =	ssyncset.done $0x0  }
0x56: {  	[sflag:s28] =	ssyncadd.s32 $0xFFFFF800  }
0x57: {  	_ =	swait.ge [sflag:s28], $0x800  }
0x58: {  	[sflag:s28] =	ssyncset.done $0x0  }
0x59: {  	[sflag:s28] =	ssyncadd.s32 $0xFFFFF800  }
0x5a: {  	_ =	swait.ge [sflag:s28], $0x800  }
0x5b: {  	[sflag:s28] =	ssyncset.done $0x0  }
0x5c: {  	[sflag:s28] =	ssyncadd.s32 $0xFFFFF800  }
0x5d: {  	_ =	swait.ge [sflag:s28], $0x800  }
0x5e: {  	[sflag:s28] =	ssyncset.done $0x0  }
0x5f: {  	[sflag:s28] =	ssyncadd.s32 $0xFFFFF800  }
0x60: {  	_ =	swait.ge [sflag:s28], $0x800  }
0x61: {  	[sflag:s28] =	ssyncset.done $0x0  }
0x62: {  	[sflag:s28] =	ssyncadd.s32 $0xFFFFF800  }
0x63: {  	_ =	swait.ge [sflag:s28], $0x800  }
0x64: {  	[sflag:s28] =	ssyncset.done $0x0  }
0x65: {  	[sflag:s28] =	ssyncadd.s32 $0xFFFFF800  }
0x66: {  	_ =	swait.ge [sflag:s28], $0x800  }
0x67: {  	[sflag:s28] =	ssyncset.done $0x0  }
0x68: {  	[sflag:s28] =	ssyncadd.s32 $0xFFFFF800  }
0x69: {  	_ =	swait.ge [sflag:s28], $0x800  }
0x6a: {  	[sflag:s28] =	ssyncset.done $0x0  }
0x6b: {  	[sflag:s28] =	ssyncadd.s32 $0xFFFFF800  }
0x6c: {  	_ =	swait.ge [sflag:s28], $0x800  }
0x6d: {  	[sflag:s28] =	ssyncset.done $0x0  }
0x6e: {  	[sflag:s28] =	ssyncadd.s32 $0xFFFFF800  }
0x6f: {  	_ =	swait.ge [sflag:s28], $0x800  }
0x70: {  	[sflag:s28] =	ssyncset.done $0x0  }
0x71: {  	[sflag:s28] =	ssyncadd.s32 $0xFFFFF800  }
0x72: {  	_ =	swait.ge [sflag:s28], $0x800  }
0x73: {  	[sflag:s28] =	ssyncset.done $0x0  }
0x74: {  	[sflag:s28] =	ssyncadd.s32 $0xFFFFF800  }
0x75: {  	_ =	swait.ge [sflag:s28], $0x800  }
0x76: {  	[sflag:s28] =	ssyncset.done $0x0  }
0x77: {  	s7 =	rddreg [dreg:$0x13];
	[sflag:s28] =	ssyncadd.s32 $0xFFFFF800  }
0x78: {  	[hbm4b:s7+s2] =	stream.linear.scatter [tilespmem:s11], [sflag:$0x2], $0x4000, $0x38;
	[tilespmem:$0x8800] =	vst v63  }
0x79: {  	_ =	swait.ge [sflag:s8], $0x4000  }
0x7a: {  	s6 =	rddreg [dreg:$0x12]  }
0x7b: {  	s30 =	simm.s32 $0x80;
	[sflag:s8] =	ssyncset.done $0x0;
	s31 =	smov.u32 s6  }
.LBB2_2:
0x7c: {  	[sflag:s8] =	ssyncadd.s32 $0xFFFFC000  }
0x7d: {  	[hbm4b:s6+s2] =	stream.linear.scatter [tilespmem:s12], [sflag:$0x2], $0x4000, $0x38;
	[tilespmem:$0x8800] =	vst v63  }
0x7e: {  	_ =	swait.ge [sflag:s8], $0x4000  }
0x7f: {  	s5 =	smov.u32 s30;
	s0 =	rddreg [dreg:$0x3];
	[sflag:s8] =	ssyncset.done $0x0  }
0x80: {  	[sflag:s8] =	ssyncadd.s32 $0xFFFFC000;
	s0 =	sadd.s32 s5, s0  }
0x81: {  	[tilespmem:s2], [sflag:$0x2] =	stream.linear.gather [hbm4b:s0+s2], $0x400, $0x38;
	[tilespmem:$0x8800] =	vst v63  }
0x82: {  	_ =	swait.ge [sflag:s8], $0x400  }
0x83: {  	s15 =	rddreg [dreg:$0x2];
	[sflag:s8] =	ssyncset.done $0x0  }
0x84: {  	[sflag:s8] =	ssyncadd.s32 $0xFFFFFC00;
	s0 =	sadd.s32 s5, s15  }
0x85: {  	[tilespmem:s9], [sflag:$0x2] =	stream.linear.gather [hbm4b:s0+s2], $0x400, $0x38;
	[tilespmem:$0x8800] =	vst v63  }
0x86: {  	_ =	swait.ge [sflag:s8], $0x400  }
0x87: {  	s0 =	rddreg [dreg:$0x10]  }
0x88: {  	s5 =	rddreg [dreg:$0xe]  }
0x89: {  	s1 =	rddreg [dreg:$0xc]  }
0x8a: {  	[sflag:s8] =	ssyncset.done $0x0;
	s29 =	rddreg [dreg:$0x4]  }
0x8b: {  	s13 =	rddreg [dreg:$0x6];
	[sflag:s8] =	ssyncadd.s32 $0xFFFFFC00  }
0x8c: {  	[tilespmem:s11], [sflag:$0x1] =	stream.indirect.gather [hbm4b:s3+s10], $0x10, s2, s10, $0xb8;
	[tilespmem:$0x8800] =	vst v63  }
0x8d: {  	s14 =	rddreg [dreg:$0x8]  }
0x8e: {  	[tilespmem:s12], [sflag:$0x1] =	stream.indirect.gather [hbm4b:s4+s10], $0x10, s9, s10, $0xb8;
	[tilespmem:$0x8800] =	vst v63  }
0x8f: {  	s15 =	rddreg [dreg:$0xa]  }
0x90: {  	[tilespmem:s29], [sflag:$0x1] =	stream.indirect.gather [hbm4b:s3+s10], $0x10, s10, s10, $0xb8;
	[tilespmem:$0x8800] =	vst v63  }
0x91: {  	s16 =	rddreg [dreg:$0x5]  }
0x92: {  	[tilespmem:s13], [sflag:$0x1] =	stream.indirect.gather [hbm4b:s4+s10], $0x10, s16, s10, $0xb8;
	[tilespmem:$0x8800] =	vst v63  }
0x93: {  	s29 =	rddreg [dreg:$0x7]  }
0x94: {  	[tilespmem:s14], [sflag:$0x1] =	stream.indirect.gather [hbm4b:s3+s10], $0x10, s29, s10, $0xb8;
	[tilespmem:$0x8800] =	vst v63  }
0x95: {  	s16 =	rddreg [dreg:$0x9]  }
0x96: {  	[tilespmem:s15], [sflag:$0x1] =	stream.indirect.gather [hbm4b:s4+s10], $0x10, s16, s10, $0xb8;
	[tilespmem:$0x8800] =	vst v63  }
0x97: {  	s29 =	rddreg [dreg:$0xb]  }
0x98: {  	[tilespmem:s1], [sflag:$0x1] =	stream.indirect.gather [hbm4b:s3+s10], $0x10, s29, s10, $0xb8;
	[tilespmem:$0x8800] =	vst v63  }
0x99: {  	s16 =	rddreg [dreg:$0xd]  }
0x9a: {  	[tilespmem:s5], [sflag:$0x1] =	stream.indirect.gather [hbm4b:s4+s10], $0x10, s16, s10, $0xb8;
	[tilespmem:$0x8800] =	vst v63  }
0x9b: {  	s29 =	rddreg [dreg:$0xf]  }
0x9c: {  	[tilespmem:s0], [sflag:$0x1] =	stream.indirect.gather [hbm4b:s3+s10], $0x10, s29, s10, $0xb8;
	[tilespmem:$0x8800] =	vst v63  }
0x9d: {  	s1 =	simm.s32 $0x600;
	s5 =	simm.s32 $0x6800  }
0x9e: {  	[tilespmem:s5], [sflag:$0x1] =	stream.indirect.gather [hbm4b:s4+s10], $0x10, s1, s10, $0xb8;
	[tilespmem:$0x8800] =	vst v63  }
0x9f: {  	s13 =	simm.s32 $0x280;
	s14 =	simm.s32 $0x3000  }
0xa0: {  	[tilespmem:s14], [sflag:$0x1] =	stream.indirect.gather [hbm4b:s3+s10], $0x10, s13, s10, $0xb8;
	[tilespmem:$0x8800] =	vst v63  }
0xa1: {  	_ = 	snop  }
0xa2: {  	[tilespmem:s18], [sflag:$0x1] =	stream.indirect.gather [hbm4b:s4+s10], $0x10, s17, s10, $0xb8;
	[tilespmem:$0x8800] =	vst v63  }
0xa3: {  	_ = 	snop  }
0xa4: {  	[tilespmem:s20], [sflag:$0x1] =	stream.indirect.gather [hbm4b:s3+s10], $0x10, s19, s10, $0xb8;
	[tilespmem:$0x8800] =	vst v63  }
0xa5: {  	_ = 	snop  }
0xa6: {  	[tilespmem:s22], [sflag:$0x1] =	stream.indirect.gather [hbm4b:s4+s10], $0x10, s21, s10, $0xb8;
	[tilespmem:$0x8800] =	vst v63  }
0xa7: {  	_ = 	snop  }
0xa8: {  	[tilespmem:s24], [sflag:$0x1] =	stream.indirect.gather [hbm4b:s3+s10], $0x10, s23, s10, $0xb8;
	[tilespmem:$0x8800] =	vst v63  }
0xa9: {  	_ = 	snop  }
0xaa: {  	[tilespmem:s26], [sflag:$0x1] =	stream.indirect.gather [hbm4b:s4+s10], $0x10, s25, s10, $0xb8;
	[tilespmem:$0x8800] =	vst v63  }
0xab: {  	_ =	swait.ge [sflag:s28], $0x800  }
0xac: {  	[sflag:s28] =	ssyncset.done $0x0  }
0xad: {  	[sflag:s28] =	ssyncadd.s32 $0xFFFFF800  }
0xae: {  	_ =	swait.ge [sflag:s28], $0x800  }
0xaf: {  	[sflag:s28] =	ssyncset.done $0x0  }
0xb0: {  	[sflag:s28] =	ssyncadd.s32 $0xFFFFF800  }
0xb1: {  	_ =	swait.ge [sflag:s28], $0x800  }
0xb2: {  	[sflag:s28] =	ssyncset.done $0x0  }
0xb3: {  	[sflag:s28] =	ssyncadd.s32 $0xFFFFF800  }
0xb4: {  	_ =	swait.ge [sflag:s28], $0x800  }
0xb5: {  	[sflag:s28] =	ssyncset.done $0x0  }
0xb6: {  	[sflag:s28] =	ssyncadd.s32 $0xFFFFF800  }
0xb7: {  	_ =	swait.ge [sflag:s28], $0x800  }
0xb8: {  	[sflag:s28] =	ssyncset.done $0x0  }
0xb9: {  	[sflag:s28] =	ssyncadd.s32 $0xFFFFF800  }
0xba: {  	_ =	swait.ge [sflag:s28], $0x800  }
0xbb: {  	[sflag:s28] =	ssyncset.done $0x0  }
0xbc: {  	[sflag:s28] =	ssyncadd.s32 $0xFFFFF800  }
0xbd: {  	_ =	swait.ge [sflag:s28], $0x800  }
0xbe: {  	[sflag:s28] =	ssyncset.done $0x0  }
0xbf: {  	[sflag:s28] =	ssyncadd.s32 $0xFFFFF800  }
0xc0: {  	_ =	swait.ge [sflag:s28], $0x800  }
0xc1: {  	[sflag:s28] =	ssyncset.done $0x0  }
0xc2: {  	[sflag:s28] =	ssyncadd.s32 $0xFFFFF800  }
0xc3: {  	_ =	swait.ge [sflag:s28], $0x800  }
0xc4: {  	[sflag:s28] =	ssyncset.done $0x0  }
0xc5: {  	[sflag:s28] =	ssyncadd.s32 $0xFFFFF800  }
0xc6: {  	_ =	swait.ge [sflag:s28], $0x800  }
0xc7: {  	[sflag:s28] =	ssyncset.done $0x0  }
0xc8: {  	[sflag:s28] =	ssyncadd.s32 $0xFFFFF800  }
0xc9: {  	_ =	swait.ge [sflag:s28], $0x800  }
0xca: {  	[sflag:s28] =	ssyncset.done $0x0  }
0xcb: {  	[sflag:s28] =	ssyncadd.s32 $0xFFFFF800  }
0xcc: {  	_ =	swait.ge [sflag:s28], $0x800  }
0xcd: {  	[sflag:s28] =	ssyncset.done $0x0  }
0xce: {  	[sflag:s28] =	ssyncadd.s32 $0xFFFFF800  }
0xcf: {  	_ =	swait.ge [sflag:s28], $0x800  }
0xd0: {  	[sflag:s28] =	ssyncset.done $0x0  }
0xd1: {  	[sflag:s28] =	ssyncadd.s32 $0xFFFFF800  }
0xd2: {  	_ =	swait.ge [sflag:s28], $0x800  }
0xd3: {  	[sflag:s28] =	ssyncset.done $0x0  }
0xd4: {  	[sflag:s28] =	ssyncadd.s32 $0xFFFFF800  }
0xd5: {  	_ =	swait.ge [sflag:s28], $0x800  }
0xd6: {  	[sflag:s28] =	ssyncset.done $0x0  }
0xd7: {  	[sflag:s28] =	ssyncadd.s32 $0xFFFFF800  }
0xd8: {  	p0 =	sne.s32 s30, $0x1880;
	_ =	swait.ge [sflag:s28], $0x800  }
.Ltmp0:
0xd9: {  	[sflag:s28] =	ssyncset.done $0x0;
	(pc) =	sbr.rel @p0 .LBB2_2-.Ltmp0, $4  }
0xda: {  	s7 =	sadd.s32 $0x800, s7;
	[sflag:s28] =	ssyncadd.s32 $0xFFFFF800  }
0xdb: {  	[hbm4b:s7+s2] =	stream.linear.scatter [tilespmem:s11], [sflag:$0x2], $0x4000, $0x38;
	[tilespmem:$0x8800] =	vst v63  }
0xdc: {  	s31 =	sadd.s32 $0x800, s31;
	_ =	swait.ge [sflag:s8], $0x4000  }
0xdd: {  	s30 =	sadd.s32 $0x80, s30;
	s6 =	smov.u32 s31;
	[sflag:s8] =	ssyncset.done $0x0  }
0xde: {  	[sflag:s8] =	ssyncadd.s32 $0xFFFFC000  }
0xdf: {  	[hbm4b:s6+s2] =	stream.linear.scatter [tilespmem:s12], [sflag:$0x2], $0x4000, $0x38;
	[tilespmem:$0x8800] =	vst v63  }
0xe0: {  	_ =	swait.ge [sflag:s8], $0x4000  }
0xe1: {  	s31 =	rddreg [dreg:$0x14]  }
0xe2: {  	s0 =	rddreg [dreg:$0x11];
	s6 =	sadd.s32 $0x1, s31  }
0xe3: {  	p0 =	sne.s32 s6, s0  }
.Ltmp1:
0xe4: {  	_ = 	snop;
	(pc) =	sbr.rel @p0 .LBB2_1-.Ltmp1, $3  }
0xe5: {  	_ =	sdelay $0x1  }
0xe6: {  	[sflag:s8] =	ssyncset.done $0x0  }
0xe7: {  	[sflag:s8] =	ssyncadd.s32 $0xFFFFC000  }
0xe8: {  	_ =	sfence.sel $0x180000  }
0xe9: {  	[bflag:$0x0] =	sbarrier.arrive $0xFFFF  }
0xea: {  	_ =	strace $0x90000047  }
0xeb: {  	s0 =	stileid.u32;
	[bflag:$0x2] =	sbarrier.arrive $0xFFFF  }
0xec: {  	p0 =	sne.s32 s0, $0x0;
	s0 =	rddreg [dreg:$0x1]  }
0xed: {  	s0 =	sadd.s32 @!p0 $0x100000, s0  }
0xee: {  	[sflag:s0] =	ssyncadd.tile.s32 @!p0 $0x1;
	_ =	shalt  }
.Lfunc_end2:
_tile_overlayer_lowered:
.L_overlay_start_2:
0xef: {  	(tag) =	ssettag $0x2  }
0xf0: {  	s0 =	rddreg [dreg:$0x0];
	s2 =	stileid.u32  }
0xf1: {  	s1 =	rddreg [dreg:$0x1];
	p0 =	sne.s32 s2, $0x0  }
0xf2: {  	s3 =	rddreg [dreg:$0x2];
	[bflag:$0x3] =	sbarrier.arrive $0xFFFF;
	s2 =	simm.s32 @!p0 $0x1C02  }
0xf3: {  	[timem:s3], [sflag:s2] =	dma.local @!p0 [hbm:s0], s1  }
0xf4: {  	s0 =	simm.s32 @!p0 $0x2  }
0xf5: {  	_ =	swait.ge @!p0 [sflag:s0], s1  }
0xf6: {  	s1 =	ssub.s32 @!p0 $0x0, s1;
	[sflag:s0] =	ssyncset.done @!p0 $0x0  }
0xf7: {  	[sflag:s0] =	ssyncadd.s32 @!p0 s1  }
0xf8: {  	[bflag:$0x3] =	sbarrier.arrive $0xFFFF  }
0xf9: {  	_ =	shalt  }

</sc_bundles>
